<compile_context>
chip_gen: v7x
topology: tpu7x:2x2x1
jax: 0.10.2.dev20260603
libtpu: 0.0.44.dev20260713+nightly
codegen_flags: <defaults>
</compile_context>

<pallas_src>
import functools

import jax
import jax.numpy as jnp
from jax import lax
from jax.experimental import pallas as pl
from jax.experimental.pallas import tpu as pltpu
from jax.experimental.pallas import tpu_sc as plsc

HASH_SIZE = 1000000
PROJ_DIM = 128
MODEL_DIM = 512
LANES = 16
N_CHUNKS = 1
MM_BLK = 4096
GRP = 128


@functools.cache
def _sc_gather(n_chunk: int, batch: int, seq: int, offset: int):
    info = plsc.get_sparse_core_info()
    nc, ns = info.num_cores, info.num_subcores
    nw = nc * ns
    assert n_chunk % (nw * GRP) == 0
    b_per_w = n_chunk // nw
    assert seq % b_per_w == 0
    n_gath = b_per_w // GRP
    vec_per_g = GRP // LANES

    mesh = plsc.VectorSubcoreMesh(core_axis_name="c", subcore_axis_name="s")

    @functools.partial(
        pl.kernel,
        mesh=mesh,
        out_type=jax.ShapeDtypeStruct((n_chunk, PROJ_DIM), jnp.float32),
        scratch_types=[
            pltpu.VMEM((b_per_w + 24,), jnp.int32),
            pltpu.VMEM((n_gath, GRP), jnp.int32),
            pltpu.VMEM((b_per_w, PROJ_DIM), jnp.float32),
            pltpu.SemaphoreType.DMA,
            pltpu.SemaphoreType.DMA,
        ],
    )
    def gather(t_hbm, table_hbm, out_hbm, tok_v, idx_v, rows_v, gsem, osem):
        wid = lax.axis_index("s") * nc + lax.axis_index("c")
        base = wid * b_per_w
        gbase = offset + base
        cstart = pl.multiple_of(jnp.maximum(gbase - 8, 0), 8)
        sh = 16 + jnp.minimum(gbase, 8)
        pltpu.sync_copy(t_hbm.at[pl.ds(cstart, b_per_w + 8)],
                        tok_v.at[pl.ds(16, b_per_w + 8)])
        lane = lax.iota(jnp.int32, LANES)
        gathers = []
        for g in range(n_gath):
            def hash_body(v, _, g=g):
                o = g * GRP + v * LANES
                cur = tok_v[pl.ds(sh + o, LANES)]
                prv = tok_v[pl.ds(sh + (o - 1), LANES)]
                h = jnp.mod(jnp.bitwise_xor(cur * 36313, prv * 27191),
                            HASH_SIZE - 1)
                pos = (gbase + o) + lane
                h = jnp.where(pos % seq == 0, HASH_SIZE - 1, h)
                idx_v[g, pl.ds(v * LANES, LANES)] = h
                return 0
            lax.fori_loop(0, vec_per_g, hash_body, 0)
            gathers.append(pltpu.async_copy(
                table_hbm.at[idx_v.at[g]],
                rows_v.at[pl.ds(g * GRP, GRP)],
                gsem,
            ))
        drains = []
        for g in range(n_gath):
            gathers[g].wait()
            drains.append(pltpu.async_copy(
                rows_v.at[pl.ds(g * GRP, GRP)],
                out_hbm.at[pl.ds(base + g * GRP, GRP)],
                osem,
            ))
        for d in drains:
            d.wait()

    return gather


def _mm_body(emb_ref, w_ref, scale_ref, out_ref):
    acc = lax.dot_general(
        emb_ref[...], w_ref[...],
        (((1,), (1,)), ((), ())),
        preferred_element_type=jnp.float32,
    )
    out_ref[...] = acc * scale_ref[0]


def _mm_body_acc(emb_ref, w_ref, scale_ref, prev_ref, out_ref):
    _mm_body(emb_ref, w_ref, scale_ref, out_ref)


@functools.cache
def _project(n_tokens: int, n_chunk: int, chunk: int, first: bool):
    blk = MM_BLK
    blk_off = chunk * (n_chunk // blk)
    in_specs = [
        pl.BlockSpec((blk, PROJ_DIM), lambda i: (i, 0)),
        pl.BlockSpec((MODEL_DIM, PROJ_DIM), lambda i: (0, 0)),
        pl.BlockSpec(memory_space=pltpu.SMEM),
    ]
    kwargs = {}
    body = _mm_body
    if not first:
        in_specs.append(pl.BlockSpec(memory_space=pl.ANY))
        kwargs["input_output_aliases"] = {3: 0}
        body = _mm_body_acc
    return pl.pallas_call(
        body,
        grid=(n_chunk // blk,),
        in_specs=in_specs,
        out_specs=pl.BlockSpec((blk, MODEL_DIM), lambda i: (i + blk_off, 0)),
        out_shape=jax.ShapeDtypeStruct((n_tokens, MODEL_DIM), jnp.float32),
        **kwargs,
    )


def kernel(token_ids, embed_weight, proj_weight, scale):
    b, s = token_ids.shape
    n = b * s
    n_chunk = n // N_CHUNKS
    t = token_ids.astype(jnp.int32).reshape(n)
    scale_arr = jnp.asarray(scale, jnp.float32).reshape(1)
    embs = [
        _sc_gather(n_chunk, b, s, c * n_chunk)(t, embed_weight)
        for c in range(N_CHUNKS)
    ]
    out = _project(n, n_chunk, 0, True)(embs[0], proj_weight, scale_arr)
    for c in range(1, N_CHUNKS):
        out = _project(n, n_chunk, c, False)(
            embs[c], proj_weight, scale_arr, out)
    return out.reshape(b, s, MODEL_DIM)

# --- scband reference (transcript-rebuilt; emitter-appended) ---
"""Pipeline reference for scband-bigram-hash-embedding-39943195853444 (READ-ONLY COPY).

The authoritative reference and input builder live on the scoring server;
editing this copy changes nothing except your own understanding.
"""

import jax, jax.numpy as jnp
import numpy as np

HASH_SIZE = 1000000
PROJ_DIM = 128
MODEL_DIM = 512
BATCH = 4
SEQ = 4096


def setup_inputs(seed: int = 0) -> dict:
    key = jax.random.key(seed)
    k1, k2, k3 = jax.random.split(key, 3)
    token_ids = jax.random.randint(k1, (BATCH, SEQ), 0, 100000)
    embed_weight = jax.random.normal(k2, (HASH_SIZE, PROJ_DIM), dtype=jnp.float32) * 0.02
    proj_weight = jax.random.normal(k3, (MODEL_DIM, PROJ_DIM), dtype=jnp.float32) * 0.02
    scale = jnp.asarray(0.05, dtype=jnp.float32)
    return {"token_ids": token_ids, "embed_weight": embed_weight, "proj_weight": proj_weight, "scale": scale}


def reference(token_ids, embed_weight, proj_weight, scale):
    hash_size = embed_weight.shape[0]
    t = token_ids.astype(jnp.int32)
    # h[..., 0] = hash_size - 1; h[..., 1:] = (36313*t[...,1:] ^ 27191*t[...,:-1]) % (hash_size-1)
    rest = jnp.mod(jnp.bitwise_xor(36313 * t[..., 1:], 27191 * t[..., :-1]), hash_size - 1)
    first = jnp.full(t.shape[:-1] + (1,), hash_size - 1, dtype=jnp.int32)
    h = jnp.concatenate([first, rest], axis=-1)
    emb = jnp.take(embed_weight, h, axis=0)  # [B, S, proj_dim]
    # nn.Linear(proj_dim, model_dim, bias=False): out = emb @ W^T, W: [model_dim, proj_dim]
    out = jnp.einsum('bsd,md->bsm', emb, proj_weight)
    return out * scale.astype(out.dtype)

if __name__ == "__main__":
    import jax
    _d = setup_inputs()
    print(jax.jit(kernel)(*tuple(_d.values())))

</pallas_src>

<mosaic_0001>
#map = affine_map<(d0, d1) -> (0)>
#map1 = affine_map<(d0, d1) -> (0, 0)>
module attributes {stable_mosaic.version = 14 : i64} {
  func.func @gather(%arg0: i32, %arg1: i32, %arg2: memref<16384xi32, #tpu.memory_space<hbm>>, %arg3: memref<1000000x128xf32, #tpu.memory_space<hbm>>, %arg4: memref<16384x128xf32, #tpu.memory_space<hbm>>, %arg5: memref<536xi32, #tpu.memory_space<vmem>>, %arg6: memref<4x128xi32, #tpu.memory_space<vmem>>, %arg7: memref<512x128xf32, #tpu.memory_space<vmem>>, %arg8: memref<!tpu.dma_semaphore, #tpu.memory_space<semaphore_mem>>, %arg9: memref<!tpu.dma_semaphore, #tpu.memory_space<semaphore_mem>>) attributes {dimension_semantics = [#tpu.dimension_semantics<core_parallel>, #tpu.dimension_semantics<subcore_parallel>], iteration_bounds = array<i64: 2, 16>, scalar_prefetch = 0 : i64, scratch_operands = 5 : i64, tpu.core_type = #tpu.core_type<sc_vector_subcore>, window_params = [{transform_indices = #map}, {transform_indices = #map1}, {transform_indices = #map1}]} {
    %mul3A = arith.constant 2 : i32
    %mul3A_0 = arith.muli %arg1, %mul3A : i32
    %add3A = arith.addi %mul3A_0, %arg0 : i32
    %mul3A_1 = arith.constant 512 : i32
    %mul3A_2 = arith.muli %add3A, %mul3A_1 : i32
    %add3A_3 = arith.constant 0 : i32
    %add3A_4 = arith.addi %add3A_3, %mul3A_2 : i32
    %sub3A = arith.constant 8 : i32
    %sub3A_5 = arith.subi %add3A_4, %sub3A : i32
    %max3A = arith.constant 0 : i32
    %max3A_6 = arith.maxsi %sub3A_5, %max3A : i32
    %multiple_of3A = tpu.assume_multiple %max3A_6, 8 : i32
    %min3A = arith.constant 8 : i32
    %min3A_7 = arith.minsi %add3A_4, %min3A : i32
    %add3A_8 = arith.constant 16 : i32
    %add3A_9 = arith.addi %add3A_8, %min3A_7 : i32
    "tpu.region"() ({
      %run_scoped3A = tpu.sem_alloc : memref<!tpu.dma_semaphore, #tpu.memory_space<semaphore_mem>>
      %dma_start3A_203 = arith.constant 16 : i32
      %dma_start3A_204 = tpu.memref_slice %arg5[%dma_start3A_203] : memref<536xi32, #tpu.memory_space<vmem>> -> memref<520xi32, #tpu.memory_space<vmem>>
      %dma_start3A_205 = tpu.memref_slice %arg2[%multiple_of3A] : memref<16384xi32, #tpu.memory_space<hbm>> -> memref<520xi32, #tpu.memory_space<hbm>>
      %dma_start3A_206 = arith.constant 16 : i32
      %dma_start3A_207 = tpu.memref_slice %arg5[%dma_start3A_206] : memref<536xi32, #tpu.memory_space<vmem>> -> memref<520xi32, #tpu.memory_space<vmem>>
      %dma_start3A_208 = tpu.memref_slice %arg2[%multiple_of3A] : memref<16384xi32, #tpu.memory_space<hbm>> -> memref<520xi32, #tpu.memory_space<hbm>>
      tpu.enqueue_dma source(%dma_start3A_208 : memref<520xi32, #tpu.memory_space<hbm>>) target(%dma_start3A_207 : memref<520xi32, #tpu.memory_space<vmem>>) target_semaphore(%run_scoped3A : memref<!tpu.dma_semaphore, #tpu.memory_space<semaphore_mem>>)
      %dma_wait3A_209 = arith.constant 16 : i32
      %dma_wait3A_210 = tpu.memref_slice %arg5[%dma_wait3A_209] : memref<536xi32, #tpu.memory_space<vmem>> -> memref<520xi32, #tpu.memory_space<vmem>>
      %dma_wait3A_211 = tpu.memref_slice %arg2[%multiple_of3A] : memref<16384xi32, #tpu.memory_space<hbm>> -> memref<520xi32, #tpu.memory_space<hbm>>
      %dma_wait3A_212 = arith.constant 16 : i32
      %dma_wait3A_213 = tpu.memref_slice %arg5[%dma_wait3A_212] : memref<536xi32, #tpu.memory_space<vmem>> -> memref<520xi32, #tpu.memory_space<vmem>>
      %dma_wait3A_214 = tpu.memref_slice %arg2[%multiple_of3A] : memref<16384xi32, #tpu.memory_space<hbm>> -> memref<520xi32, #tpu.memory_space<hbm>>
      tpu.wait_dma2 semaphore(%run_scoped3A : memref<!tpu.dma_semaphore, #tpu.memory_space<semaphore_mem>>) src(%dma_wait3A_214 : memref<520xi32, #tpu.memory_space<hbm>>) dst(%dma_wait3A_213 : memref<520xi32, #tpu.memory_space<vmem>>)
      tpu.yield
    }) : () -> ()
    %iota3A = tpu.iota {dimensions = array<i32: 0>} : vector<16xi32>
    %scan3A = arith.constant 0 : i32
    %scan3A_10 = arith.constant 0 : i32
    %scan3A_11 = arith.constant 8 : i32
    %scan3A_12 = arith.addi %scan3A_10, %scan3A_11 : i32
    %scan3A_13 = arith.constant 1 : i32
    %scan3A_14 = scf.for %scan3A_203 = %scan3A_10 to %scan3A_12 step %scan3A_13 iter_args(%scan3A_204 = %scan3A) -> (i32)  : i32 {
      %mul3A_205 = arith.constant 16 : i32
      %mul3A_206 = arith.muli %scan3A_203, %mul3A_205 : i32
      %add3A_207 = arith.constant 0 : i32
      %add3A_208 = arith.addi %add3A_207, %mul3A_206 : i32
      %add3A_209 = arith.addi %add3A_9, %add3A_208 : i32
      %get3A = arith.index_cast %add3A_209 : i32 to index
      %get3A_210 = tpu.vector_load %arg5[%get3A] {strides = array<i32>} : memref<536xi32, #tpu.memory_space<vmem>>, vector<16xi32>,
      %get3A_211 = vector.shape_cast %get3A_210 : vector<16xi32> to vector<16xi32>
      %sub3A_212 = arith.constant 1 : i32
      %sub3A_213 = arith.subi %add3A_208, %sub3A_212 : i32
      %add3A_214 = arith.addi %add3A_9, %sub3A_213 : i32
      %get3A_215 = arith.index_cast %add3A_214 : i32 to index
      %get3A_216 = tpu.vector_load %arg5[%get3A_215] {strides = array<i32>} : memref<536xi32, #tpu.memory_space<vmem>>, vector<16xi32>,
      %get3A_217 = vector.shape_cast %get3A_216 : vector<16xi32> to vector<16xi32>
      %mul3A_218 = arith.constant 36313 : i32
      %mul3A_219 = vector.broadcast %mul3A_218 : i32 to vector<16xi32>
      %mul3A_220 = arith.muli %get3A_211, %mul3A_219 : vector<16xi32>
      %mul3A_221 = arith.constant 27191 : i32
      %mul3A_222 = vector.broadcast %mul3A_221 : i32 to vector<16xi32>
      %mul3A_223 = arith.muli %get3A_217, %mul3A_222 : vector<16xi32>
      %xor3A = arith.xori %mul3A_220, %mul3A_223 : vector<16xi32>
      %jit3A = arith.constant 999999 : i32
      %eq3A = arith.constant 0 : i32
      %eq3A_224 = arith.cmpi eq, %jit3A, %eq3A : i32
      %jit3A_225 = arith.constant 1 : i32
      %select_n3A = arith.select %eq3A_224, %jit3A_225, %jit3A : i32
      %rem3A = vector.broadcast %select_n3A : i32 to vector<16xi32>
      %rem3A_226 = arith.remsi %xor3A, %rem3A : vector<16xi32>
      %ne3A = arith.constant 0 : i32
      %ne3A_227 = vector.broadcast %ne3A : i32 to vector<16xi32>
      %ne3A_228 = arith.cmpi ne, %rem3A_226, %ne3A_227 : vector<16xi32>
      %lt3A = arith.constant 0 : i32
      %lt3A_229 = vector.broadcast %lt3A : i32 to vector<16xi32>
      %lt3A_230 = arith.cmpi slt, %rem3A_226, %lt3A_229 : vector<16xi32>
      %lt3A_231 = arith.constant 0 : i32
      %lt3A_232 = arith.cmpi slt, %select_n3A, %lt3A_231 : i32
      %ne3A_233 = vector.broadcast %lt3A_232 : i1 to vector<16xi1>
      %ne3A_234 = vector.broadcast %ne3A_233 : vector<16xi1> to vector<16xi1>
      %ne3A_235 = arith.xori %lt3A_230, %ne3A_234 : vector<16xi1>
      %and3A = arith.andi %ne3A_235, %ne3A_228 : vector<16xi1>
      %add3A_236 = vector.broadcast %select_n3A : i32 to vector<16xi32>
      %add3A_237 = arith.addi %rem3A_226, %add3A_236 : vector<16xi32>
      %select_n3A_238 = arith.select %and3A, %add3A_237, %rem3A_226 : vector<16xi1>, vector<16xi32>
      %add3A_239 = arith.addi %add3A_4, %add3A_208 : i32
      %add3A_240 = vector.broadcast %add3A_239 : i32 to vector<16xi32>
      %add3A_241 = arith.addi %add3A_240, %iota3A : vector<16xi32>
      %jit3A_242 = arith.constant 4096 : i32
      %eq3A_243 = arith.constant 0 : i32
      %eq3A_244 = arith.cmpi eq, %jit3A_242, %eq3A_243 : i32
      %jit3A_245 = arith.constant 1 : i32
      %select_n3A_246 = arith.select %eq3A_244, %jit3A_245, %jit3A_242 : i32
      %rem3A_247 = vector.broadcast %select_n3A_246 : i32 to vector<16xi32>
      %rem3A_248 = arith.remsi %add3A_241, %rem3A_247 : vector<16xi32>
      %ne3A_249 = arith.constant 0 : i32
      %ne3A_250 = vector.broadcast %ne3A_249 : i32 to vector<16xi32>
      %ne3A_251 = arith.cmpi ne, %rem3A_248, %ne3A_250 : vector<16xi32>
      %lt3A_252 = arith.constant 0 : i32
      %lt3A_253 = vector.broadcast %lt3A_252 : i32 to vector<16xi32>
      %lt3A_254 = arith.cmpi slt, %rem3A_248, %lt3A_253 : vector<16xi32>
      %lt3A_255 = arith.constant 0 : i32
      %lt3A_256 = arith.cmpi slt, %select_n3A_246, %lt3A_255 : i32
      %ne3A_257 = vector.broadcast %lt3A_256 : i1 to vector<16xi1>
      %ne3A_258 = vector.broadcast %ne3A_257 : vector<16xi1> to vector<16xi1>
      %ne3A_259 = arith.xori %lt3A_254, %ne3A_258 : vector<16xi1>
      %and3A_260 = arith.andi %ne3A_259, %ne3A_251 : vector<16xi1>
      %add3A_261 = vector.broadcast %select_n3A_246 : i32 to vector<16xi32>
      %add3A_262 = arith.addi %rem3A_248, %add3A_261 : vector<16xi32>
      %select_n3A_263 = arith.select %and3A_260, %add3A_262, %rem3A_248 : vector<16xi1>, vector<16xi32>
      %eq3A_264 = arith.constant 0 : i32
      %eq3A_265 = vector.broadcast %eq3A_264 : i32 to vector<16xi32>
      %eq3A_266 = arith.cmpi eq, %select_n3A_263, %eq3A_265 : vector<16xi32>
      %jit3A_267 = arith.constant 999999 : i32
      %broadcast_in_dim3A = vector.broadcast %jit3A_267 : i32 to vector<16xi32>
      %select_n3A_268 = arith.select %eq3A_266, %broadcast_in_dim3A, %select_n3A_238 : vector<16xi1>, vector<16xi32>
      %mul3A_269 = arith.constant 16 : i32
      %mul3A_270 = arith.muli %scan3A_203, %mul3A_269 : i32
      %swap3A = arith.constant 0 : i32
      %swap3A_271 = arith.index_cast %swap3A : i32 to index
      %swap3A_272 = arith.index_cast %mul3A_270 : i32 to index
      %swap3A_273 = tpu.vector_load %arg6[%swap3A_271, %swap3A_272] {strides = array<i32>} : memref<4x128xi32, #tpu.memory_space<vmem>>, vector<1x16xi32>,
      %swap3A_274 = vector.shape_cast %swap3A_273 : vector<1x16xi32> to vector<16xi32>
      %swap3A_275 = vector.shape_cast %select_n3A_268 : vector<16xi32> to vector<1x16xi32>
      tpu.vector_store %arg6[%swap3A_271, %swap3A_272], %swap3A_275 {strides = array<i32>} : memref<4x128xi32, #tpu.memory_space<vmem>>, vector<1x16xi32>,
      %scan3A_276 = arith.constant 0 : i32
      scf.yield %scan3A_276 : i32
    }
    %scan3A_15 = arith.constant 8 : i32
    %dma_start3A = arith.constant 0 : i32
    %dma_start3A_16 = arith.constant 0 : i32
    %dma_start3A_17 = arith.constant 0 : i32
    %dma_start3A_18 = tpu.memref_slice %arg7[%dma_start3A_16, %dma_start3A_17] : memref<512x128xf32, #tpu.memory_space<vmem>> -> memref<128x128xf32, #tpu.memory_space<vmem>>
    %dma_start3A_19 = arith.constant 0 : i32
    %dma_start3A_20 = tpu.memref_slice %arg6[%dma_start3A, %dma_start3A_19] : memref<4x128xi32, #tpu.memory_space<vmem>> -> memref<1x128xi32, #tpu.memory_space<vmem>>
    %dma_start3A_21 = tpu.memref_squeeze %dma_start3A_20 : memref<1x128xi32, #tpu.memory_space<vmem>> -> memref<128xi32, #tpu.memory_space<vmem>>
    %dma_start3A_22 = arith.constant 0 : i32
    %dma_start3A_23 = arith.constant 0 : i32
    %dma_start3A_24 = tpu.memref_slice %arg3[%dma_start3A_22, %dma_start3A_23] : memref<1000000x128xf32, #tpu.memory_space<hbm>> -> memref<1000000x128xf32, #tpu.memory_space<hbm>>
    tpu.enqueue_indirect_dma source(%dma_start3A_24 : memref<1000000x128xf32, #tpu.memory_space<hbm>>) target(%dma_start3A_18 : memref<128x128xf32, #tpu.memory_space<vmem>>) offsets(%dma_start3A_21 : memref<128xi32, #tpu.memory_space<vmem>>) semaphore(%arg8 : memref<!tpu.dma_semaphore, #tpu.memory_space<semaphore_mem>>)
    %scan3A_25 = arith.constant 0 : i32
    %scan3A_26 = arith.constant 0 : i32
    %scan3A_27 = arith.constant 8 : i32
    %scan3A_28 = arith.addi %scan3A_26, %scan3A_27 : i32
    %scan3A_29 = arith.constant 1 : i32
    %scan3A_30 = scf.for %scan3A_203 = %scan3A_26 to %scan3A_28 step %scan3A_29 iter_args(%scan3A_204 = %scan3A_25) -> (i32)  : i32 {
      %mul3A_205 = arith.constant 16 : i32
      %mul3A_206 = arith.muli %scan3A_203, %mul3A_205 : i32
      %add3A_207 = arith.constant 128 : i32
      %add3A_208 = arith.addi %add3A_207, %mul3A_206 : i32
      %add3A_209 = arith.addi %add3A_9, %add3A_208 : i32
      %get3A = arith.index_cast %add3A_209 : i32 to index
      %get3A_210 = tpu.vector_load %arg5[%get3A] {strides = array<i32>} : memref<536xi32, #tpu.memory_space<vmem>>, vector<16xi32>,
      %get3A_211 = vector.shape_cast %get3A_210 : vector<16xi32> to vector<16xi32>
      %sub3A_212 = arith.constant 1 : i32
      %sub3A_213 = arith.subi %add3A_208, %sub3A_212 : i32
      %add3A_214 = arith.addi %add3A_9, %sub3A_213 : i32
      %get3A_215 = arith.index_cast %add3A_214 : i32 to index
      %get3A_216 = tpu.vector_load %arg5[%get3A_215] {strides = array<i32>} : memref<536xi32, #tpu.memory_space<vmem>>, vector<16xi32>,
      %get3A_217 = vector.shape_cast %get3A_216 : vector<16xi32> to vector<16xi32>
      %mul3A_218 = arith.constant 36313 : i32
      %mul3A_219 = vector.broadcast %mul3A_218 : i32 to vector<16xi32>
      %mul3A_220 = arith.muli %get3A_211, %mul3A_219 : vector<16xi32>
      %mul3A_221 = arith.constant 27191 : i32
      %mul3A_222 = vector.broadcast %mul3A_221 : i32 to vector<16xi32>
      %mul3A_223 = arith.muli %get3A_217, %mul3A_222 : vector<16xi32>
      %xor3A = arith.xori %mul3A_220, %mul3A_223 : vector<16xi32>
      %jit3A = arith.constant 999999 : i32
      %eq3A = arith.constant 0 : i32
      %eq3A_224 = arith.cmpi eq, %jit3A, %eq3A : i32
      %jit3A_225 = arith.constant 1 : i32
      %select_n3A = arith.select %eq3A_224, %jit3A_225, %jit3A : i32
      %rem3A = vector.broadcast %select_n3A : i32 to vector<16xi32>
      %rem3A_226 = arith.remsi %xor3A, %rem3A : vector<16xi32>
      %ne3A = arith.constant 0 : i32
      %ne3A_227 = vector.broadcast %ne3A : i32 to vector<16xi32>
      %ne3A_228 = arith.cmpi ne, %rem3A_226, %ne3A_227 : vector<16xi32>
      %lt3A = arith.constant 0 : i32
      %lt3A_229 = vector.broadcast %lt3A : i32 to vector<16xi32>
      %lt3A_230 = arith.cmpi slt, %rem3A_226, %lt3A_229 : vector<16xi32>
      %lt3A_231 = arith.constant 0 : i32
      %lt3A_232 = arith.cmpi slt, %select_n3A, %lt3A_231 : i32
      %ne3A_233 = vector.broadcast %lt3A_232 : i1 to vector<16xi1>
      %ne3A_234 = vector.broadcast %ne3A_233 : vector<16xi1> to vector<16xi1>
      %ne3A_235 = arith.xori %lt3A_230, %ne3A_234 : vector<16xi1>
      %and3A = arith.andi %ne3A_235, %ne3A_228 : vector<16xi1>
      %add3A_236 = vector.broadcast %select_n3A : i32 to vector<16xi32>
      %add3A_237 = arith.addi %rem3A_226, %add3A_236 : vector<16xi32>
      %select_n3A_238 = arith.select %and3A, %add3A_237, %rem3A_226 : vector<16xi1>, vector<16xi32>
      %add3A_239 = arith.addi %add3A_4, %add3A_208 : i32
      %add3A_240 = vector.broadcast %add3A_239 : i32 to vector<16xi32>
      %add3A_241 = arith.addi %add3A_240, %iota3A : vector<16xi32>
      %jit3A_242 = arith.constant 4096 : i32
      %eq3A_243 = arith.constant 0 : i32
      %eq3A_244 = arith.cmpi eq, %jit3A_242, %eq3A_243 : i32
      %jit3A_245 = arith.constant 1 : i32
      %select_n3A_246 = arith.select %eq3A_244, %jit3A_245, %jit3A_242 : i32
      %rem3A_247 = vector.broadcast %select_n3A_246 : i32 to vector<16xi32>
      %rem3A_248 = arith.remsi %add3A_241, %rem3A_247 : vector<16xi32>
      %ne3A_249 = arith.constant 0 : i32
      %ne3A_250 = vector.broadcast %ne3A_249 : i32 to vector<16xi32>
      %ne3A_251 = arith.cmpi ne, %rem3A_248, %ne3A_250 : vector<16xi32>
      %lt3A_252 = arith.constant 0 : i32
      %lt3A_253 = vector.broadcast %lt3A_252 : i32 to vector<16xi32>
      %lt3A_254 = arith.cmpi slt, %rem3A_248, %lt3A_253 : vector<16xi32>
      %lt3A_255 = arith.constant 0 : i32
      %lt3A_256 = arith.cmpi slt, %select_n3A_246, %lt3A_255 : i32
      %ne3A_257 = vector.broadcast %lt3A_256 : i1 to vector<16xi1>
      %ne3A_258 = vector.broadcast %ne3A_257 : vector<16xi1> to vector<16xi1>
      %ne3A_259 = arith.xori %lt3A_254, %ne3A_258 : vector<16xi1>
      %and3A_260 = arith.andi %ne3A_259, %ne3A_251 : vector<16xi1>
      %add3A_261 = vector.broadcast %select_n3A_246 : i32 to vector<16xi32>
      %add3A_262 = arith.addi %rem3A_248, %add3A_261 : vector<16xi32>
      %select_n3A_263 = arith.select %and3A_260, %add3A_262, %rem3A_248 : vector<16xi1>, vector<16xi32>
      %eq3A_264 = arith.constant 0 : i32
      %eq3A_265 = vector.broadcast %eq3A_264 : i32 to vector<16xi32>
      %eq3A_266 = arith.cmpi eq, %select_n3A_263, %eq3A_265 : vector<16xi32>
      %jit3A_267 = arith.constant 999999 : i32
      %broadcast_in_dim3A = vector.broadcast %jit3A_267 : i32 to vector<16xi32>
      %select_n3A_268 = arith.select %eq3A_266, %broadcast_in_dim3A, %select_n3A_238 : vector<16xi1>, vector<16xi32>
      %mul3A_269 = arith.constant 16 : i32
      %mul3A_270 = arith.muli %scan3A_203, %mul3A_269 : i32
      %swap3A = arith.constant 1 : i32
      %swap3A_271 = arith.index_cast %swap3A : i32 to index
      %swap3A_272 = arith.index_cast %mul3A_270 : i32 to index
      %swap3A_273 = tpu.vector_load %arg6[%swap3A_271, %swap3A_272] {strides = array<i32>} : memref<4x128xi32, #tpu.memory_space<vmem>>, vector<1x16xi32>,
      %swap3A_274 = vector.shape_cast %swap3A_273 : vector<1x16xi32> to vector<16xi32>
      %swap3A_275 = vector.shape_cast %select_n3A_268 : vector<16xi32> to vector<1x16xi32>
      tpu.vector_store %arg6[%swap3A_271, %swap3A_272], %swap3A_275 {strides = array<i32>} : memref<4x128xi32, #tpu.memory_space<vmem>>, vector<1x16xi32>,
      %scan3A_276 = arith.constant 0 : i32
      scf.yield %scan3A_276 : i32
    }
    %scan3A_31 = arith.constant 8 : i32
    %dma_start3A_32 = arith.constant 1 : i32
    %dma_start3A_33 = arith.constant 128 : i32
    %dma_start3A_34 = arith.constant 0 : i32
    %dma_start3A_35 = tpu.memref_slice %arg7[%dma_start3A_33, %dma_start3A_34] : memref<512x128xf32, #tpu.memory_space<vmem>> -> memref<128x128xf32, #tpu.memory_space<vmem>>
    %dma_start3A_36 = arith.constant 0 : i32
    %dma_start3A_37 = tpu.memref_slice %arg6[%dma_start3A_32, %dma_start3A_36] : memref<4x128xi32, #tpu.memory_space<vmem>> -> memref<1x128xi32, #tpu.memory_space<vmem>>
    %dma_start3A_38 = tpu.memref_squeeze %dma_start3A_37 : memref<1x128xi32, #tpu.memory_space<vmem>> -> memref<128xi32, #tpu.memory_space<vmem>>
    %dma_start3A_39 = arith.constant 0 : i32
    %dma_start3A_40 = arith.constant 0 : i32
    %dma_start3A_41 = tpu.memref_slice %arg3[%dma_start3A_39, %dma_start3A_40] : memref<1000000x128xf32, #tpu.memory_space<hbm>> -> memref<1000000x128xf32, #tpu.memory_space<hbm>>
    tpu.enqueue_indirect_dma source(%dma_start3A_41 : memref<1000000x128xf32, #tpu.memory_space<hbm>>) target(%dma_start3A_35 : memref<128x128xf32, #tpu.memory_space<vmem>>) offsets(%dma_start3A_38 : memref<128xi32, #tpu.memory_space<vmem>>) semaphore(%arg8 : memref<!tpu.dma_semaphore, #tpu.memory_space<semaphore_mem>>)
    %scan3A_42 = arith.constant 0 : i32
    %scan3A_43 = arith.constant 0 : i32
    %scan3A_44 = arith.constant 8 : i32
    %scan3A_45 = arith.addi %scan3A_43, %scan3A_44 : i32
    %scan3A_46 = arith.constant 1 : i32
    %scan3A_47 = scf.for %scan3A_203 = %scan3A_43 to %scan3A_45 step %scan3A_46 iter_args(%scan3A_204 = %scan3A_42) -> (i32)  : i32 {
      %mul3A_205 = arith.constant 16 : i32
      %mul3A_206 = arith.muli %scan3A_203, %mul3A_205 : i32
      %add3A_207 = arith.constant 256 : i32
      %add3A_208 = arith.addi %add3A_207, %mul3A_206 : i32
      %add3A_209 = arith.addi %add3A_9, %add3A_208 : i32
      %get3A = arith.index_cast %add3A_209 : i32 to index
      %get3A_210 = tpu.vector_load %arg5[%get3A] {strides = array<i32>} : memref<536xi32, #tpu.memory_space<vmem>>, vector<16xi32>,
      %get3A_211 = vector.shape_cast %get3A_210 : vector<16xi32> to vector<16xi32>
      %sub3A_212 = arith.constant 1 : i32
      %sub3A_213 = arith.subi %add3A_208, %sub3A_212 : i32
      %add3A_214 = arith.addi %add3A_9, %sub3A_213 : i32
      %get3A_215 = arith.index_cast %add3A_214 : i32 to index
      %get3A_216 = tpu.vector_load %arg5[%get3A_215] {strides = array<i32>} : memref<536xi32, #tpu.memory_space<vmem>>, vector<16xi32>,
      %get3A_217 = vector.shape_cast %get3A_216 : vector<16xi32> to vector<16xi32>
      %mul3A_218 = arith.constant 36313 : i32
      %mul3A_219 = vector.broadcast %mul3A_218 : i32 to vector<16xi32>
      %mul3A_220 = arith.muli %get3A_211, %mul3A_219 : vector<16xi32>
      %mul3A_221 = arith.constant 27191 : i32
      %mul3A_222 = vector.broadcast %mul3A_221 : i32 to vector<16xi32>
      %mul3A_223 = arith.muli %get3A_217, %mul3A_222 : vector<16xi32>
      %xor3A = arith.xori %mul3A_220, %mul3A_223 : vector<16xi32>
      %jit3A = arith.constant 999999 : i32
      %eq3A = arith.constant 0 : i32
      %eq3A_224 = arith.cmpi eq, %jit3A, %eq3A : i32
      %jit3A_225 = arith.constant 1 : i32
      %select_n3A = arith.select %eq3A_224, %jit3A_225, %jit3A : i32
      %rem3A = vector.broadcast %select_n3A : i32 to vector<16xi32>
      %rem3A_226 = arith.remsi %xor3A, %rem3A : vector<16xi32>
      %ne3A = arith.constant 0 : i32
      %ne3A_227 = vector.broadcast %ne3A : i32 to vector<16xi32>
      %ne3A_228 = arith.cmpi ne, %rem3A_226, %ne3A_227 : vector<16xi32>
      %lt3A = arith.constant 0 : i32
      %lt3A_229 = vector.broadcast %lt3A : i32 to vector<16xi32>
      %lt3A_230 = arith.cmpi slt, %rem3A_226, %lt3A_229 : vector<16xi32>
      %lt3A_231 = arith.constant 0 : i32
      %lt3A_232 = arith.cmpi slt, %select_n3A, %lt3A_231 : i32
      %ne3A_233 = vector.broadcast %lt3A_232 : i1 to vector<16xi1>
      %ne3A_234 = vector.broadcast %ne3A_233 : vector<16xi1> to vector<16xi1>
      %ne3A_235 = arith.xori %lt3A_230, %ne3A_234 : vector<16xi1>
      %and3A = arith.andi %ne3A_235, %ne3A_228 : vector<16xi1>
      %add3A_236 = vector.broadcast %select_n3A : i32 to vector<16xi32>
      %add3A_237 = arith.addi %rem3A_226, %add3A_236 : vector<16xi32>
      %select_n3A_238 = arith.select %and3A, %add3A_237, %rem3A_226 : vector<16xi1>, vector<16xi32>
      %add3A_239 = arith.addi %add3A_4, %add3A_208 : i32
      %add3A_240 = vector.broadcast %add3A_239 : i32 to vector<16xi32>
      %add3A_241 = arith.addi %add3A_240, %iota3A : vector<16xi32>
      %jit3A_242 = arith.constant 4096 : i32
      %eq3A_243 = arith.constant 0 : i32
      %eq3A_244 = arith.cmpi eq, %jit3A_242, %eq3A_243 : i32
      %jit3A_245 = arith.constant 1 : i32
      %select_n3A_246 = arith.select %eq3A_244, %jit3A_245, %jit3A_242 : i32
      %rem3A_247 = vector.broadcast %select_n3A_246 : i32 to vector<16xi32>
      %rem3A_248 = arith.remsi %add3A_241, %rem3A_247 : vector<16xi32>
      %ne3A_249 = arith.constant 0 : i32
      %ne3A_250 = vector.broadcast %ne3A_249 : i32 to vector<16xi32>
      %ne3A_251 = arith.cmpi ne, %rem3A_248, %ne3A_250 : vector<16xi32>
      %lt3A_252 = arith.constant 0 : i32
      %lt3A_253 = vector.broadcast %lt3A_252 : i32 to vector<16xi32>
      %lt3A_254 = arith.cmpi slt, %rem3A_248, %lt3A_253 : vector<16xi32>
      %lt3A_255 = arith.constant 0 : i32
      %lt3A_256 = arith.cmpi slt, %select_n3A_246, %lt3A_255 : i32
      %ne3A_257 = vector.broadcast %lt3A_256 : i1 to vector<16xi1>
      %ne3A_258 = vector.broadcast %ne3A_257 : vector<16xi1> to vector<16xi1>
      %ne3A_259 = arith.xori %lt3A_254, %ne3A_258 : vector<16xi1>
      %and3A_260 = arith.andi %ne3A_259, %ne3A_251 : vector<16xi1>
      %add3A_261 = vector.broadcast %select_n3A_246 : i32 to vector<16xi32>
      %add3A_262 = arith.addi %rem3A_248, %add3A_261 : vector<16xi32>
      %select_n3A_263 = arith.select %and3A_260, %add3A_262, %rem3A_248 : vector<16xi1>, vector<16xi32>
      %eq3A_264 = arith.constant 0 : i32
      %eq3A_265 = vector.broadcast %eq3A_264 : i32 to vector<16xi32>
      %eq3A_266 = arith.cmpi eq, %select_n3A_263, %eq3A_265 : vector<16xi32>
      %jit3A_267 = arith.constant 999999 : i32
      %broadcast_in_dim3A = vector.broadcast %jit3A_267 : i32 to vector<16xi32>
      %select_n3A_268 = arith.select %eq3A_266, %broadcast_in_dim3A, %select_n3A_238 : vector<16xi1>, vector<16xi32>
      %mul3A_269 = arith.constant 16 : i32
      %mul3A_270 = arith.muli %scan3A_203, %mul3A_269 : i32
      %swap3A = arith.constant 2 : i32
      %swap3A_271 = arith.index_cast %swap3A : i32 to index
      %swap3A_272 = arith.index_cast %mul3A_270 : i32 to index
      %swap3A_273 = tpu.vector_load %arg6[%swap3A_271, %swap3A_272] {strides = array<i32>} : memref<4x128xi32, #tpu.memory_space<vmem>>, vector<1x16xi32>,
      %swap3A_274 = vector.shape_cast %swap3A_273 : vector<1x16xi32> to vector<16xi32>
      %swap3A_275 = vector.shape_cast %select_n3A_268 : vector<16xi32> to vector<1x16xi32>
      tpu.vector_store %arg6[%swap3A_271, %swap3A_272], %swap3A_275 {strides = array<i32>} : memref<4x128xi32, #tpu.memory_space<vmem>>, vector<1x16xi32>,
      %scan3A_276 = arith.constant 0 : i32
      scf.yield %scan3A_276 : i32
    }
    %scan3A_48 = arith.constant 8 : i32
    %dma_start3A_49 = arith.constant 2 : i32
    %dma_start3A_50 = arith.constant 256 : i32
    %dma_start3A_51 = arith.constant 0 : i32
    %dma_start3A_52 = tpu.memref_slice %arg7[%dma_start3A_50, %dma_start3A_51] : memref<512x128xf32, #tpu.memory_space<vmem>> -> memref<128x128xf32, #tpu.memory_space<vmem>>
    %dma_start3A_53 = arith.constant 0 : i32
    %dma_start3A_54 = tpu.memref_slice %arg6[%dma_start3A_49, %dma_start3A_53] : memref<4x128xi32, #tpu.memory_space<vmem>> -> memref<1x128xi32, #tpu.memory_space<vmem>>
    %dma_start3A_55 = tpu.memref_squeeze %dma_start3A_54 : memref<1x128xi32, #tpu.memory_space<vmem>> -> memref<128xi32, #tpu.memory_space<vmem>>
    %dma_start3A_56 = arith.constant 0 : i32
    %dma_start3A_57 = arith.constant 0 : i32
    %dma_start3A_58 = tpu.memref_slice %arg3[%dma_start3A_56, %dma_start3A_57] : memref<1000000x128xf32, #tpu.memory_space<hbm>> -> memref<1000000x128xf32, #tpu.memory_space<hbm>>
    tpu.enqueue_indirect_dma source(%dma_start3A_58 : memref<1000000x128xf32, #tpu.memory_space<hbm>>) target(%dma_start3A_52 : memref<128x128xf32, #tpu.memory_space<vmem>>) offsets(%dma_start3A_55 : memref<128xi32, #tpu.memory_space<vmem>>) semaphore(%arg8 : memref<!tpu.dma_semaphore, #tpu.memory_space<semaphore_mem>>)
    %scan3A_59 = arith.constant 0 : i32
    %scan3A_60 = arith.constant 0 : i32
    %scan3A_61 = arith.constant 8 : i32
    %scan3A_62 = arith.addi %scan3A_60, %scan3A_61 : i32
    %scan3A_63 = arith.constant 1 : i32
    %scan3A_64 = scf.for %scan3A_203 = %scan3A_60 to %scan3A_62 step %scan3A_63 iter_args(%scan3A_204 = %scan3A_59) -> (i32)  : i32 {
      %mul3A_205 = arith.constant 16 : i32
      %mul3A_206 = arith.muli %scan3A_203, %mul3A_205 : i32
      %add3A_207 = arith.constant 384 : i32
      %add3A_208 = arith.addi %add3A_207, %mul3A_206 : i32
      %add3A_209 = arith.addi %add3A_9, %add3A_208 : i32
      %get3A = arith.index_cast %add3A_209 : i32 to index
      %get3A_210 = tpu.vector_load %arg5[%get3A] {strides = array<i32>} : memref<536xi32, #tpu.memory_space<vmem>>, vector<16xi32>,
      %get3A_211 = vector.shape_cast %get3A_210 : vector<16xi32> to vector<16xi32>
      %sub3A_212 = arith.constant 1 : i32
      %sub3A_213 = arith.subi %add3A_208, %sub3A_212 : i32
      %add3A_214 = arith.addi %add3A_9, %sub3A_213 : i32
      %get3A_215 = arith.index_cast %add3A_214 : i32 to index
      %get3A_216 = tpu.vector_load %arg5[%get3A_215] {strides = array<i32>} : memref<536xi32, #tpu.memory_space<vmem>>, vector<16xi32>,
      %get3A_217 = vector.shape_cast %get3A_216 : vector<16xi32> to vector<16xi32>
      %mul3A_218 = arith.constant 36313 : i32
      %mul3A_219 = vector.broadcast %mul3A_218 : i32 to vector<16xi32>
      %mul3A_220 = arith.muli %get3A_211, %mul3A_219 : vector<16xi32>
      %mul3A_221 = arith.constant 27191 : i32
      %mul3A_222 = vector.broadcast %mul3A_221 : i32 to vector<16xi32>
      %mul3A_223 = arith.muli %get3A_217, %mul3A_222 : vector<16xi32>
      %xor3A = arith.xori %mul3A_220, %mul3A_223 : vector<16xi32>
      %jit3A = arith.constant 999999 : i32
      %eq3A = arith.constant 0 : i32
      %eq3A_224 = arith.cmpi eq, %jit3A, %eq3A : i32
      %jit3A_225 = arith.constant 1 : i32
      %select_n3A = arith.select %eq3A_224, %jit3A_225, %jit3A : i32
      %rem3A = vector.broadcast %select_n3A : i32 to vector<16xi32>
      %rem3A_226 = arith.remsi %xor3A, %rem3A : vector<16xi32>
      %ne3A = arith.constant 0 : i32
      %ne3A_227 = vector.broadcast %ne3A : i32 to vector<16xi32>
      %ne3A_228 = arith.cmpi ne, %rem3A_226, %ne3A_227 : vector<16xi32>
      %lt3A = arith.constant 0 : i32
      %lt3A_229 = vector.broadcast %lt3A : i32 to vector<16xi32>
      %lt3A_230 = arith.cmpi slt, %rem3A_226, %lt3A_229 : vector<16xi32>
      %lt3A_231 = arith.constant 0 : i32
      %lt3A_232 = arith.cmpi slt, %select_n3A, %lt3A_231 : i32
      %ne3A_233 = vector.broadcast %lt3A_232 : i1 to vector<16xi1>
      %ne3A_234 = vector.broadcast %ne3A_233 : vector<16xi1> to vector<16xi1>
      %ne3A_235 = arith.xori %lt3A_230, %ne3A_234 : vector<16xi1>
      %and3A = arith.andi %ne3A_235, %ne3A_228 : vector<16xi1>
      %add3A_236 = vector.broadcast %select_n3A : i32 to vector<16xi32>
      %add3A_237 = arith.addi %rem3A_226, %add3A_236 : vector<16xi32>
      %select_n3A_238 = arith.select %and3A, %add3A_237, %rem3A_226 : vector<16xi1>, vector<16xi32>
      %add3A_239 = arith.addi %add3A_4, %add3A_208 : i32
      %add3A_240 = vector.broadcast %add3A_239 : i32 to vector<16xi32>
      %add3A_241 = arith.addi %add3A_240, %iota3A : vector<16xi32>
      %jit3A_242 = arith.constant 4096 : i32
      %eq3A_243 = arith.constant 0 : i32
      %eq3A_244 = arith.cmpi eq, %jit3A_242, %eq3A_243 : i32
      %jit3A_245 = arith.constant 1 : i32
      %select_n3A_246 = arith.select %eq3A_244, %jit3A_245, %jit3A_242 : i32
      %rem3A_247 = vector.broadcast %select_n3A_246 : i32 to vector<16xi32>
      %rem3A_248 = arith.remsi %add3A_241, %rem3A_247 : vector<16xi32>
      %ne3A_249 = arith.constant 0 : i32
      %ne3A_250 = vector.broadcast %ne3A_249 : i32 to vector<16xi32>
      %ne3A_251 = arith.cmpi ne, %rem3A_248, %ne3A_250 : vector<16xi32>
      %lt3A_252 = arith.constant 0 : i32
      %lt3A_253 = vector.broadcast %lt3A_252 : i32 to vector<16xi32>
      %lt3A_254 = arith.cmpi slt, %rem3A_248, %lt3A_253 : vector<16xi32>
      %lt3A_255 = arith.constant 0 : i32
      %lt3A_256 = arith.cmpi slt, %select_n3A_246, %lt3A_255 : i32
      %ne3A_257 = vector.broadcast %lt3A_256 : i1 to vector<16xi1>
      %ne3A_258 = vector.broadcast %ne3A_257 : vector<16xi1> to vector<16xi1>
      %ne3A_259 = arith.xori %lt3A_254, %ne3A_258 : vector<16xi1>
      %and3A_260 = arith.andi %ne3A_259, %ne3A_251 : vector<16xi1>
      %add3A_261 = vector.broadcast %select_n3A_246 : i32 to vector<16xi32>
      %add3A_262 = arith.addi %rem3A_248, %add3A_261 : vector<16xi32>
      %select_n3A_263 = arith.select %and3A_260, %add3A_262, %rem3A_248 : vector<16xi1>, vector<16xi32>
      %eq3A_264 = arith.constant 0 : i32
      %eq3A_265 = vector.broadcast %eq3A_264 : i32 to vector<16xi32>
      %eq3A_266 = arith.cmpi eq, %select_n3A_263, %eq3A_265 : vector<16xi32>
      %jit3A_267 = arith.constant 999999 : i32
      %broadcast_in_dim3A = vector.broadcast %jit3A_267 : i32 to vector<16xi32>
      %select_n3A_268 = arith.select %eq3A_266, %broadcast_in_dim3A, %select_n3A_238 : vector<16xi1>, vector<16xi32>
      %mul3A_269 = arith.constant 16 : i32
      %mul3A_270 = arith.muli %scan3A_203, %mul3A_269 : i32
      %swap3A = arith.constant 3 : i32
      %swap3A_271 = arith.index_cast %swap3A : i32 to index
      %swap3A_272 = arith.index_cast %mul3A_270 : i32 to index
      %swap3A_273 = tpu.vector_load %arg6[%swap3A_271, %swap3A_272] {strides = array<i32>} : memref<4x128xi32, #tpu.memory_space<vmem>>, vector<1x16xi32>,
      %swap3A_274 = vector.shape_cast %swap3A_273 : vector<1x16xi32> to vector<16xi32>
      %swap3A_275 = vector.shape_cast %select_n3A_268 : vector<16xi32> to vector<1x16xi32>
      tpu.vector_store %arg6[%swap3A_271, %swap3A_272], %swap3A_275 {strides = array<i32>} : memref<4x128xi32, #tpu.memory_space<vmem>>, vector<1x16xi32>,
      %scan3A_276 = arith.constant 0 : i32
      scf.yield %scan3A_276 : i32
    }
    %scan3A_65 = arith.constant 8 : i32
    %dma_start3A_66 = arith.constant 3 : i32
    %dma_start3A_67 = arith.constant 384 : i32
    %dma_start3A_68 = arith.constant 0 : i32
    %dma_start3A_69 = tpu.memref_slice %arg7[%dma_start3A_67, %dma_start3A_68] : memref<512x128xf32, #tpu.memory_space<vmem>> -> memref<128x128xf32, #tpu.memory_space<vmem>>
    %dma_start3A_70 = arith.constant 0 : i32
    %dma_start3A_71 = tpu.memref_slice %arg6[%dma_start3A_66, %dma_start3A_70] : memref<4x128xi32, #tpu.memory_space<vmem>> -> memref<1x128xi32, #tpu.memory_space<vmem>>
    %dma_start3A_72 = tpu.memref_squeeze %dma_start3A_71 : memref<1x128xi32, #tpu.memory_space<vmem>> -> memref<128xi32, #tpu.memory_space<vmem>>
    %dma_start3A_73 = arith.constant 0 : i32
    %dma_start3A_74 = arith.constant 0 : i32
    %dma_start3A_75 = tpu.memref_slice %arg3[%dma_start3A_73, %dma_start3A_74] : memref<1000000x128xf32, #tpu.memory_space<hbm>> -> memref<1000000x128xf32, #tpu.memory_space<hbm>>
    tpu.enqueue_indirect_dma source(%dma_start3A_75 : memref<1000000x128xf32, #tpu.memory_space<hbm>>) target(%dma_start3A_69 : memref<128x128xf32, #tpu.memory_space<vmem>>) offsets(%dma_start3A_72 : memref<128xi32, #tpu.memory_space<vmem>>) semaphore(%arg8 : memref<!tpu.dma_semaphore, #tpu.memory_space<semaphore_mem>>)
    %dma_wait3A = arith.constant 0 : i32
    %dma_wait3A_76 = arith.constant 0 : i32
    %dma_wait3A_77 = arith.constant 0 : i32
    %dma_wait3A_78 = tpu.memref_slice %arg7[%dma_wait3A_76, %dma_wait3A_77] : memref<512x128xf32, #tpu.memory_space<vmem>> -> memref<128x128xf32, #tpu.memory_space<vmem>>
    %dma_wait3A_79 = arith.constant 0 : i32
    %dma_wait3A_80 = tpu.memref_slice %arg6[%dma_wait3A, %dma_wait3A_79] : memref<4x128xi32, #tpu.memory_space<vmem>> -> memref<1x128xi32, #tpu.memory_space<vmem>>
    %dma_wait3A_81 = tpu.memref_squeeze %dma_wait3A_80 : memref<1x128xi32, #tpu.memory_space<vmem>> -> memref<128xi32, #tpu.memory_space<vmem>>
    %dma_wait3A_82 = arith.constant 0 : i32
    %dma_wait3A_83 = arith.constant 0 : i32
    %dma_wait3A_84 = tpu.memref_slice %arg3[%dma_wait3A_82, %dma_wait3A_83] : memref<1000000x128xf32, #tpu.memory_space<hbm>> -> memref<1000000x128xf32, #tpu.memory_space<hbm>>
    tpu.wait_indirect_dma semaphore(%arg8 : memref<!tpu.dma_semaphore, #tpu.memory_space<semaphore_mem>>) src(%dma_wait3A_84 : memref<1000000x128xf32, #tpu.memory_space<hbm>>) dst(%dma_wait3A_78 : memref<128x128xf32, #tpu.memory_space<vmem>>)
    %add3A_85 = arith.constant 0 : i32
    %add3A_86 = arith.addi %mul3A_2, %add3A_85 : i32
    %dma_start3A_87 = arith.constant 0 : i32
    %dma_start3A_88 = arith.constant 0 : i32
    %dma_start3A_89 = tpu.memref_slice %arg7[%dma_start3A_87, %dma_start3A_88] : memref<512x128xf32, #tpu.memory_space<vmem>> -> memref<128x128xf32, #tpu.memory_space<vmem>>
    %dma_start3A_90 = arith.constant 0 : i32
    %dma_start3A_91 = tpu.memref_slice %arg4[%add3A_86, %dma_start3A_90] : memref<16384x128xf32, #tpu.memory_space<hbm>> -> memref<128x128xf32, #tpu.memory_space<hbm>>
    %dma_start3A_92 = arith.constant 0 : i32
    %dma_start3A_93 = tpu.memref_slice %arg4[%add3A_86, %dma_start3A_92] : memref<16384x128xf32, #tpu.memory_space<hbm>> -> memref<128x128xf32, #tpu.memory_space<hbm>>
    %dma_start3A_94 = arith.constant 0 : i32
    %dma_start3A_95 = arith.constant 0 : i32
    %dma_start3A_96 = tpu.memref_slice %arg7[%dma_start3A_94, %dma_start3A_95] : memref<512x128xf32, #tpu.memory_space<vmem>> -> memref<128x128xf32, #tpu.memory_space<vmem>>
    tpu.enqueue_dma source(%dma_start3A_96 : memref<128x128xf32, #tpu.memory_space<vmem>>) target(%dma_start3A_93 : memref<128x128xf32, #tpu.memory_space<hbm>>) target_semaphore(%arg9 : memref<!tpu.dma_semaphore, #tpu.memory_space<semaphore_mem>>)
    %dma_wait3A_97 = arith.constant 1 : i32
    %dma_wait3A_98 = arith.constant 128 : i32
    %dma_wait3A_99 = arith.constant 0 : i32
    %dma_wait3A_100 = tpu.memref_slice %arg7[%dma_wait3A_98, %dma_wait3A_99] : memref<512x128xf32, #tpu.memory_space<vmem>> -> memref<128x128xf32, #tpu.memory_space<vmem>>
    %dma_wait3A_101 = arith.constant 0 : i32
    %dma_wait3A_102 = tpu.memref_slice %arg6[%dma_wait3A_97, %dma_wait3A_101] : memref<4x128xi32, #tpu.memory_space<vmem>> -> memref<1x128xi32, #tpu.memory_space<vmem>>
    %dma_wait3A_103 = tpu.memref_squeeze %dma_wait3A_102 : memref<1x128xi32, #tpu.memory_space<vmem>> -> memref<128xi32, #tpu.memory_space<vmem>>
    %dma_wait3A_104 = arith.constant 0 : i32
    %dma_wait3A_105 = arith.constant 0 : i32
    %dma_wait3A_106 = tpu.memref_slice %arg3[%dma_wait3A_104, %dma_wait3A_105] : memref<1000000x128xf32, #tpu.memory_space<hbm>> -> memref<1000000x128xf32, #tpu.memory_space<hbm>>
    tpu.wait_indirect_dma semaphore(%arg8 : memref<!tpu.dma_semaphore, #tpu.memory_space<semaphore_mem>>) src(%dma_wait3A_106 : memref<1000000x128xf32, #tpu.memory_space<hbm>>) dst(%dma_wait3A_100 : memref<128x128xf32, #tpu.memory_space<vmem>>)
    %add3A_107 = arith.constant 128 : i32
    %add3A_108 = arith.addi %mul3A_2, %add3A_107 : i32
    %dma_start3A_109 = arith.constant 128 : i32
    %dma_start3A_110 = arith.constant 0 : i32
    %dma_start3A_111 = tpu.memref_slice %arg7[%dma_start3A_109, %dma_start3A_110] : memref<512x128xf32, #tpu.memory_space<vmem>> -> memref<128x128xf32, #tpu.memory_space<vmem>>
    %dma_start3A_112 = arith.constant 0 : i32
    %dma_start3A_113 = tpu.memref_slice %arg4[%add3A_108, %dma_start3A_112] : memref<16384x128xf32, #tpu.memory_space<hbm>> -> memref<128x128xf32, #tpu.memory_space<hbm>>
    %dma_start3A_114 = arith.constant 0 : i32
    %dma_start3A_115 = tpu.memref_slice %arg4[%add3A_108, %dma_start3A_114] : memref<16384x128xf32, #tpu.memory_space<hbm>> -> memref<128x128xf32, #tpu.memory_space<hbm>>
    %dma_start3A_116 = arith.constant 128 : i32
    %dma_start3A_117 = arith.constant 0 : i32
    %dma_start3A_118 = tpu.memref_slice %arg7[%dma_start3A_116, %dma_start3A_117] : memref<512x128xf32, #tpu.memory_space<vmem>> -> memref<128x128xf32, #tpu.memory_space<vmem>>
    tpu.enqueue_dma source(%dma_start3A_118 : memref<128x128xf32, #tpu.memory_space<vmem>>) target(%dma_start3A_115 : memref<128x128xf32, #tpu.memory_space<hbm>>) target_semaphore(%arg9 : memref<!tpu.dma_semaphore, #tpu.memory_space<semaphore_mem>>)
    %dma_wait3A_119 = arith.constant 2 : i32
    %dma_wait3A_120 = arith.constant 256 : i32
    %dma_wait3A_121 = arith.constant 0 : i32
    %dma_wait3A_122 = tpu.memref_slice %arg7[%dma_wait3A_120, %dma_wait3A_121] : memref<512x128xf32, #tpu.memory_space<vmem>> -> memref<128x128xf32, #tpu.memory_space<vmem>>
    %dma_wait3A_123 = arith.constant 0 : i32
    %dma_wait3A_124 = tpu.memref_slice %arg6[%dma_wait3A_119, %dma_wait3A_123] : memref<4x128xi32, #tpu.memory_space<vmem>> -> memref<1x128xi32, #tpu.memory_space<vmem>>
    %dma_wait3A_125 = tpu.memref_squeeze %dma_wait3A_124 : memref<1x128xi32, #tpu.memory_space<vmem>> -> memref<128xi32, #tpu.memory_space<vmem>>
    %dma_wait3A_126 = arith.constant 0 : i32
    %dma_wait3A_127 = arith.constant 0 : i32
    %dma_wait3A_128 = tpu.memref_slice %arg3[%dma_wait3A_126, %dma_wait3A_127] : memref<1000000x128xf32, #tpu.memory_space<hbm>> -> memref<1000000x128xf32, #tpu.memory_space<hbm>>
    tpu.wait_indirect_dma semaphore(%arg8 : memref<!tpu.dma_semaphore, #tpu.memory_space<semaphore_mem>>) src(%dma_wait3A_128 : memref<1000000x128xf32, #tpu.memory_space<hbm>>) dst(%dma_wait3A_122 : memref<128x128xf32, #tpu.memory_space<vmem>>)
    %add3A_129 = arith.constant 256 : i32
    %add3A_130 = arith.addi %mul3A_2, %add3A_129 : i32
    %dma_start3A_131 = arith.constant 256 : i32
    %dma_start3A_132 = arith.constant 0 : i32
    %dma_start3A_133 = tpu.memref_slice %arg7[%dma_start3A_131, %dma_start3A_132] : memref<512x128xf32, #tpu.memory_space<vmem>> -> memref<128x128xf32, #tpu.memory_space<vmem>>
    %dma_start3A_134 = arith.constant 0 : i32
    %dma_start3A_135 = tpu.memref_slice %arg4[%add3A_130, %dma_start3A_134] : memref<16384x128xf32, #tpu.memory_space<hbm>> -> memref<128x128xf32, #tpu.memory_space<hbm>>
    %dma_start3A_136 = arith.constant 0 : i32
    %dma_start3A_137 = tpu.memref_slice %arg4[%add3A_130, %dma_start3A_136] : memref<16384x128xf32, #tpu.memory_space<hbm>> -> memref<128x128xf32, #tpu.memory_space<hbm>>
    %dma_start3A_138 = arith.constant 256 : i32
    %dma_start3A_139 = arith.constant 0 : i32
    %dma_start3A_140 = tpu.memref_slice %arg7[%dma_start3A_138, %dma_start3A_139] : memref<512x128xf32, #tpu.memory_space<vmem>> -> memref<128x128xf32, #tpu.memory_space<vmem>>
    tpu.enqueue_dma source(%dma_start3A_140 : memref<128x128xf32, #tpu.memory_space<vmem>>) target(%dma_start3A_137 : memref<128x128xf32, #tpu.memory_space<hbm>>) target_semaphore(%arg9 : memref<!tpu.dma_semaphore, #tpu.memory_space<semaphore_mem>>)
    %dma_wait3A_141 = arith.constant 3 : i32
    %dma_wait3A_142 = arith.constant 384 : i32
    %dma_wait3A_143 = arith.constant 0 : i32
    %dma_wait3A_144 = tpu.memref_slice %arg7[%dma_wait3A_142, %dma_wait3A_143] : memref<512x128xf32, #tpu.memory_space<vmem>> -> memref<128x128xf32, #tpu.memory_space<vmem>>
    %dma_wait3A_145 = arith.constant 0 : i32
    %dma_wait3A_146 = tpu.memref_slice %arg6[%dma_wait3A_141, %dma_wait3A_145] : memref<4x128xi32, #tpu.memory_space<vmem>> -> memref<1x128xi32, #tpu.memory_space<vmem>>
    %dma_wait3A_147 = tpu.memref_squeeze %dma_wait3A_146 : memref<1x128xi32, #tpu.memory_space<vmem>> -> memref<128xi32, #tpu.memory_space<vmem>>
    %dma_wait3A_148 = arith.constant 0 : i32
    %dma_wait3A_149 = arith.constant 0 : i32
    %dma_wait3A_150 = tpu.memref_slice %arg3[%dma_wait3A_148, %dma_wait3A_149] : memref<1000000x128xf32, #tpu.memory_space<hbm>> -> memref<1000000x128xf32, #tpu.memory_space<hbm>>
    tpu.wait_indirect_dma semaphore(%arg8 : memref<!tpu.dma_semaphore, #tpu.memory_space<semaphore_mem>>) src(%dma_wait3A_150 : memref<1000000x128xf32, #tpu.memory_space<hbm>>) dst(%dma_wait3A_144 : memref<128x128xf32, #tpu.memory_space<vmem>>)
    %add3A_151 = arith.constant 384 : i32
    %add3A_152 = arith.addi %mul3A_2, %add3A_151 : i32
    %dma_start3A_153 = arith.constant 384 : i32
    %dma_start3A_154 = arith.constant 0 : i32
    %dma_start3A_155 = tpu.memref_slice %arg7[%dma_start3A_153, %dma_start3A_154] : memref<512x128xf32, #tpu.memory_space<vmem>> -> memref<128x128xf32, #tpu.memory_space<vmem>>
    %dma_start3A_156 = arith.constant 0 : i32
    %dma_start3A_157 = tpu.memref_slice %arg4[%add3A_152, %dma_start3A_156] : memref<16384x128xf32, #tpu.memory_space<hbm>> -> memref<128x128xf32, #tpu.memory_space<hbm>>
    %dma_start3A_158 = arith.constant 0 : i32
    %dma_start3A_159 = tpu.memref_slice %arg4[%add3A_152, %dma_start3A_158] : memref<16384x128xf32, #tpu.memory_space<hbm>> -> memref<128x128xf32, #tpu.memory_space<hbm>>
    %dma_start3A_160 = arith.constant 384 : i32
    %dma_start3A_161 = arith.constant 0 : i32
    %dma_start3A_162 = tpu.memref_slice %arg7[%dma_start3A_160, %dma_start3A_161] : memref<512x128xf32, #tpu.memory_space<vmem>> -> memref<128x128xf32, #tpu.memory_space<vmem>>
    tpu.enqueue_dma source(%dma_start3A_162 : memref<128x128xf32, #tpu.memory_space<vmem>>) target(%dma_start3A_159 : memref<128x128xf32, #tpu.memory_space<hbm>>) target_semaphore(%arg9 : memref<!tpu.dma_semaphore, #tpu.memory_space<semaphore_mem>>)
    %dma_wait3A_163 = arith.constant 0 : i32
    %dma_wait3A_164 = arith.constant 0 : i32
    %dma_wait3A_165 = tpu.memref_slice %arg7[%dma_wait3A_163, %dma_wait3A_164] : memref<512x128xf32, #tpu.memory_space<vmem>> -> memref<128x128xf32, #tpu.memory_space<vmem>>
    %dma_wait3A_166 = arith.constant 0 : i32
    %dma_wait3A_167 = tpu.memref_slice %arg4[%add3A_86, %dma_wait3A_166] : memref<16384x128xf32, #tpu.memory_space<hbm>> -> memref<128x128xf32, #tpu.memory_space<hbm>>
    %dma_wait3A_168 = arith.constant 0 : i32
    %dma_wait3A_169 = tpu.memref_slice %arg4[%add3A_86, %dma_wait3A_168] : memref<16384x128xf32, #tpu.memory_space<hbm>> -> memref<128x128xf32, #tpu.memory_space<hbm>>
    %dma_wait3A_170 = arith.constant 0 : i32
    %dma_wait3A_171 = arith.constant 0 : i32
    %dma_wait3A_172 = tpu.memref_slice %arg7[%dma_wait3A_170, %dma_wait3A_171] : memref<512x128xf32, #tpu.memory_space<vmem>> -> memref<128x128xf32, #tpu.memory_space<vmem>>
    tpu.wait_dma2 semaphore(%arg9 : memref<!tpu.dma_semaphore, #tpu.memory_space<semaphore_mem>>) src(%dma_wait3A_172 : memref<128x128xf32, #tpu.memory_space<vmem>>) dst(%dma_wait3A_169 : memref<128x128xf32, #tpu.memory_space<hbm>>)
    %dma_wait3A_173 = arith.constant 128 : i32
    %dma_wait3A_174 = arith.constant 0 : i32
    %dma_wait3A_175 = tpu.memref_slice %arg7[%dma_wait3A_173, %dma_wait3A_174] : memref<512x128xf32, #tpu.memory_space<vmem>> -> memref<128x128xf32, #tpu.memory_space<vmem>>
    %dma_wait3A_176 = arith.constant 0 : i32
    %dma_wait3A_177 = tpu.memref_slice %arg4[%add3A_108, %dma_wait3A_176] : memref<16384x128xf32, #tpu.memory_space<hbm>> -> memref<128x128xf32, #tpu.memory_space<hbm>>
    %dma_wait3A_178 = arith.constant 0 : i32
    %dma_wait3A_179 = tpu.memref_slice %arg4[%add3A_108, %dma_wait3A_178] : memref<16384x128xf32, #tpu.memory_space<hbm>> -> memref<128x128xf32, #tpu.memory_space<hbm>>
    %dma_wait3A_180 = arith.constant 128 : i32
    %dma_wait3A_181 = arith.constant 0 : i32
    %dma_wait3A_182 = tpu.memref_slice %arg7[%dma_wait3A_180, %dma_wait3A_181] : memref<512x128xf32, #tpu.memory_space<vmem>> -> memref<128x128xf32, #tpu.memory_space<vmem>>
    tpu.wait_dma2 semaphore(%arg9 : memref<!tpu.dma_semaphore, #tpu.memory_space<semaphore_mem>>) src(%dma_wait3A_182 : memref<128x128xf32, #tpu.memory_space<vmem>>) dst(%dma_wait3A_179 : memref<128x128xf32, #tpu.memory_space<hbm>>)
    %dma_wait3A_183 = arith.constant 256 : i32
    %dma_wait3A_184 = arith.constant 0 : i32
    %dma_wait3A_185 = tpu.memref_slice %arg7[%dma_wait3A_183, %dma_wait3A_184] : memref<512x128xf32, #tpu.memory_space<vmem>> -> memref<128x128xf32, #tpu.memory_space<vmem>>
    %dma_wait3A_186 = arith.constant 0 : i32
    %dma_wait3A_187 = tpu.memref_slice %arg4[%add3A_130, %dma_wait3A_186] : memref<16384x128xf32, #tpu.memory_space<hbm>> -> memref<128x128xf32, #tpu.memory_space<hbm>>
    %dma_wait3A_188 = arith.constant 0 : i32
    %dma_wait3A_189 = tpu.memref_slice %arg4[%add3A_130, %dma_wait3A_188] : memref<16384x128xf32, #tpu.memory_space<hbm>> -> memref<128x128xf32, #tpu.memory_space<hbm>>
    %dma_wait3A_190 = arith.constant 256 : i32
    %dma_wait3A_191 = arith.constant 0 : i32
    %dma_wait3A_192 = tpu.memref_slice %arg7[%dma_wait3A_190, %dma_wait3A_191] : memref<512x128xf32, #tpu.memory_space<vmem>> -> memref<128x128xf32, #tpu.memory_space<vmem>>
    tpu.wait_dma2 semaphore(%arg9 : memref<!tpu.dma_semaphore, #tpu.memory_space<semaphore_mem>>) src(%dma_wait3A_192 : memref<128x128xf32, #tpu.memory_space<vmem>>) dst(%dma_wait3A_189 : memref<128x128xf32, #tpu.memory_space<hbm>>)
    %dma_wait3A_193 = arith.constant 384 : i32
    %dma_wait3A_194 = arith.constant 0 : i32
    %dma_wait3A_195 = tpu.memref_slice %arg7[%dma_wait3A_193, %dma_wait3A_194] : memref<512x128xf32, #tpu.memory_space<vmem>> -> memref<128x128xf32, #tpu.memory_space<vmem>>
    %dma_wait3A_196 = arith.constant 0 : i32
    %dma_wait3A_197 = tpu.memref_slice %arg4[%add3A_152, %dma_wait3A_196] : memref<16384x128xf32, #tpu.memory_space<hbm>> -> memref<128x128xf32, #tpu.memory_space<hbm>>
    %dma_wait3A_198 = arith.constant 0 : i32
    %dma_wait3A_199 = tpu.memref_slice %arg4[%add3A_152, %dma_wait3A_198] : memref<16384x128xf32, #tpu.memory_space<hbm>> -> memref<128x128xf32, #tpu.memory_space<hbm>>
    %dma_wait3A_200 = arith.constant 384 : i32
    %dma_wait3A_201 = arith.constant 0 : i32
    %dma_wait3A_202 = tpu.memref_slice %arg7[%dma_wait3A_200, %dma_wait3A_201] : memref<512x128xf32, #tpu.memory_space<vmem>> -> memref<128x128xf32, #tpu.memory_space<vmem>>
    tpu.wait_dma2 semaphore(%arg9 : memref<!tpu.dma_semaphore, #tpu.memory_space<semaphore_mem>>) src(%dma_wait3A_202 : memref<128x128xf32, #tpu.memory_space<vmem>>) dst(%dma_wait3A_199 : memref<128x128xf32, #tpu.memory_space<hbm>>)
    return
  }
}

module attributes {stable_mosaic.version = 14 : i64} {
  func.func @_mm_body(%arg0: i32, %arg1: memref<4096x128xf32, #tpu.memory_space<vmem>>, %arg2: memref<512x128xf32, #tpu.memory_space<vmem>>, %arg3: memref<1xf32, #tpu.memory_space<smem>>, %arg4: memref<4096x512xf32, #tpu.memory_space<vmem>>) attributes {dimension_semantics = [#tpu.dimension_semantics<arbitrary>], iteration_bounds = array<i64: 4>, scalar_prefetch = 0 : i64, scratch_operands = 0 : i64, tpu.core_type = #tpu.core_type<tc>, window_params = [{transform_indices = @transform_0, window_bounds = array<i64: 4096, 128>}, {pipeline_mode = #tpu.pipeline_mode<synchronous>, transform_indices = @transform_1, window_bounds = array<i64: 512, 128>}, {transform_indices = @transform_2, window_bounds = array<i64: 1>}, {transform_indices = @transform_3, window_bounds = array<i64: 4096, 512>}]} {
    %get3A = arith.constant 0 : index
    %get3A_0 = arith.constant 0 : index
    %get3A_1 = vector.load %arg1[%get3A, %get3A_0] : memref<4096x128xf32, #tpu.memory_space<vmem>>, vector<4096x128xf32>
    %get3A_2 = arith.constant 0 : index
    %get3A_3 = arith.constant 0 : index
    %get3A_4 = vector.load %arg2[%get3A_2, %get3A_3] : memref<512x128xf32, #tpu.memory_space<vmem>>, vector<512x128xf32>
    %dot_general3A = arith.constant dense<0.000000e+00> : vector<4096x512xf32>
    %dot_general3A_5 = tpu.matmul %get3A_1, %get3A_4, %dot_general3A {dimension_numbers = #tpu.dot_dimension_numbers<[1], [1], [0], [0], [0, 0, 1, 0], [], []>, transpose_lhs_hint = false} : vector<4096x128xf32>, vector<512x128xf32>, vector<4096x512xf32> -> vector<4096x512xf32>
    %get3A_6 = arith.constant 0 : index
    %get3A_7 = memref.load %arg3[%get3A_6] : memref<1xf32, #tpu.memory_space<smem>>
    %mul3A = vector.broadcast %get3A_7 : f32 to vector<4096x512xf32>
    %mul3A_8 = arith.mulf %dot_general3A_5, %mul3A : vector<4096x512xf32>
    %swap3A = arith.constant 0 : index
    %swap3A_9 = arith.constant 0 : index
    %swap3A_10 = vector.load %arg4[%swap3A, %swap3A_9] : memref<4096x512xf32, #tpu.memory_space<vmem>>, vector<4096x512xf32>
    tpu.vector_store %arg4[%swap3A, %swap3A_9], %mul3A_8 {strides = array<i32>} : memref<4096x512xf32, #tpu.memory_space<vmem>>, vector<4096x512xf32>,
    return
  }
  func.func @transform_0(%arg0: i32) -> (i32, i32) {
    %c0_i32 = arith.constant 0 : i32
    %c0_i32_0 = arith.constant 0 : i32
    return %arg0, %c0_i32 : i32, i32
  }
  func.func @transform_1(%arg0: i32) -> (i32, i32) {
    %c0_i32 = arith.constant 0 : i32
    %c0_i32_0 = arith.constant 0 : i32
    %c0_i32_1 = arith.constant 0 : i32
    return %c0_i32, %c0_i32_0 : i32, i32
  }
  func.func @transform_2(%arg0: i32) -> i32 {
    %c0_i32 = arith.constant 0 : i32
    %c0_i32_0 = arith.constant 0 : i32
    return %c0_i32 : i32
  }
  func.func @transform_3(%arg0: i32) -> (i32, i32) {
    %add3A = arith.constant 0 : i32
    %add3A_0 = arith.addi %arg0, %add3A : i32
    %c0_i32 = arith.constant 0 : i32
    %c0_i32_1 = arith.constant 0 : i32
    return %add3A_0, %c0_i32 : i32, i32
  }
}

</mosaic_0001>

<sc_bundles>
// kernel: kernel.4.cloned.1.call-start
scs
__scs_entry_jumppad:
0x0: {  	(pc) =	sbr.rel $0x88, $3  }
0x1: {  	(tag) =	ssettag $0x0;
	lr =	simm.s32 $0x1  }
0x2: {  	[smem:$0x3F9D] =	sst lr;
	_ =	strace $0xD0000000  }
0x3: {  	_ = 	snop  }
0x4: {  	_ = 	snop  }
0x5: {  	_ = 	snop  }
0x6: {  	_ = 	snop  }
0x7: {  	_ = 	snop  }
__scs_overlays_trampoline_lowered:
0x8: {  	[smem:$0x3FAC] =	sst s0  }
0x9: {  	[smem:$0x3FAD] =	sst s1  }
0xa: {  	[smem:$0x3FAE] =	sst s2  }
0xb: {  	[smem:$0x3FAF] =	sst s3  }
0xc: {  	[smem:$0x3FB0] =	sst s4  }
0xd: {  	[smem:$0x3FB1] =	sst s5  }
0xe: {  	[smem:$0x3FB2] =	sst s6  }
0xf: {  	[smem:$0x3FB3] =	sst s7  }
0x10: {  	[smem:$0x3FB4] =	sst s8  }
0x11: {  	[smem:$0x3FB5] =	sst s9;
	s0 =	simm.s32 @!p0 $0x0  }
0x12: {  	s1 =	sld [smem:$0x3F9B];
	s0 =	simm.s32 @p0 $0x1  }
0x13: {  	[smem:$0x3FB6] =	sst s0;
	s0 =	simm.s32 @!p1 $0x0  }
0x14: {  	s2 =	sld [smem:$0x3F9A];
	s0 =	simm.s32 @p1 $0x1  }
0x15: {  	[smem:$0x3FB7] =	sst s0;
	s0 =	simm.s32 @!p2 $0x0  }
0x16: {  	s3 =	sld [smem:$0x3FDB];
	s0 =	simm.s32 @p2 $0x1  }
0x17: {  	s4 =	simm.s32 $0x1BF5;
	[smem:$0x3FB9] =	sst s0  }
0x18: {  	s0 =	sld [smem:$0x3F9C];
	_ =	swait.ge [sflag:s4], $0x0  }
0x19: {  	s7 =	sld [smem:$0x3F9D]  }
0x1a: {  	s8 =	sadd.s32 $0xFFFFE003, lr  }
0x1b: {  	s9 =	sadd.s32 $0xFFFFFEF7, lr;
	s5 =	simm.s32 $0xFFFFFFFF;
	p2 =	slt.u32 s8, $0xFFFFF086  }
0x1c: {  	p1 =	slt.u32 s9, $0xF7A;
	s5 =	simm.s32 @!p2 $0x0  }
0x1d: {  	s5 =	simm.s32 @p1 $0x1;
	p0 =	seq.s32 s7, s2  }
0x1e: {  	s7 =	smul.u32 @!p0 $0xF7A, s2;
	p2 =	seq.s32 @!p0 s5, $0x0  }
0x1f: {  	s9 =	smul.u32 $0xF7A, s1;
	s8 =	simm.s32 @!p0 $0x1BF5;
	p2 =	por !p2, p0  }
0x20: {  	[sflag:s8] =	ssyncset.s32 @!p0 $0xFFFFF086;
	s6 =	sadd.s32 @!p0 s3, s7;
	s7 =	simm.s32 @!p0 $0x108  }
0x21: {  	s3 =	sadd.s32 s3, s9;
	s6 =	sadd.s32 @!p0 $0x88, s6;
	s7 =	simm.s32 @p2 $0x1082  }
0x22: {  	[simem:s7], [sflag:s8] =	dma.local @!p0 [hbm:s6], $0xF7A  }
0x23: {  	s9 =	sor.u32 $0xD0000000, s2;
	s6 =	simm.s32 $0x108;
	_ =	swait.ge @!p0 [sflag:s8], $0x0  }
0x24: {  	s3 =	sadd.s32 $0x88, s3;
	s6 =	simm.s32 @!p1 $0x1082;
	[sflag:s4] =	ssyncset.s32 $0xFFFFF086  }
0x25: {  	[simem:s6], [sflag:s4] =	dma.local [hbm:s3], $0xF7A  }
0x26: {  	[smem:$0x3F9D] =	sst s1;
	(tag) =	ssettag s2;
	_ =	strace s9  }
0x27: {  	s1 =	sld [smem:$0x3FAD]  }
0x28: {  	s2 =	sld [smem:$0x3FAE]  }
0x29: {  	s4 =	sld [smem:$0x3FB0]  }
0x2a: {  	p0 =	seq.s32 s5, $0x0;
	s5 =	sld [smem:$0x3FB1]  }
0x2b: {  	s6 =	sld [smem:$0x3FB2]  }
0x2c: {  	s7 =	sld [smem:$0x3FB3]  }
0x2d: {  	s3 =	simm.s32 $0x108;
	s8 =	sld [smem:$0x3FB4]  }
0x2e: {  	s3 =	simm.s32 @!p0 $0x1082;
	s9 =	sld [smem:$0x3FB5]  }
0x2f: {  	lr =	sadd.s32 s0, s3;
	s0 =	sld [smem:$0x3FAC]  }
0x30: {  	s3 =	sld [smem:$0x3FAF]  }
0x31: {  	[smem:$0x3FB8] =	sst s10  }
0x32: {  	s10 =	sld [smem:$0x3FB6];
	_ =	sdelay $0x3  }
0x33: {  	p0 =	seq.s32 s10, $0x1;
	s10 =	sld [smem:$0x3FB8];
	_ =	sdelay $0x3  }
0x34: {  	[smem:$0x3FB8] =	sst s10  }
0x35: {  	s10 =	sld [smem:$0x3FB7];
	_ =	sdelay $0x3  }
0x36: {  	p1 =	seq.s32 s10, $0x1;
	s10 =	sld [smem:$0x3FB8];
	_ =	sdelay $0x3  }
0x37: {  	[smem:$0x3FB8] =	sst s10  }
0x38: {  	s10 =	sld [smem:$0x3FB9]  }
0x39: {  	_ = 	snop;
	(pc) =	sbr.ind lr, $3  }
0x3a: {  	_ = 	snop  }
0x3b: {  	_ = 	snop  }
0x3c: {  	p2 =	seq.s32 s10, $0x1;
	s10 =	sld [smem:$0x3FB8]  }
0x3d: {  	_ =	shalt  }
0x3e: {  	_ =	shalt  }
0x3f: {  	_ =	shalt  }
0x40: {  	_ =	shalt  }
0x41: {  	_ =	shalt  }
0x42: {  	_ =	shalt  }
0x43: {  	_ =	shalt  }
0x44: {  	_ =	shalt  }
0x45: {  	_ =	shalt  }
0x46: {  	_ =	shalt  }
0x47: {  	_ =	shalt  }
0x48: {  	_ =	shalt  }
0x49: {  	_ =	shalt  }
0x4a: {  	_ =	shalt  }
0x4b: {  	_ =	shalt  }
0x4c: {  	_ =	shalt  }
0x4d: {  	_ =	shalt  }
0x4e: {  	_ =	shalt  }
0x4f: {  	_ =	shalt  }
0x50: {  	_ =	shalt  }
0x51: {  	_ =	shalt  }
0x52: {  	_ =	shalt  }
0x53: {  	_ =	shalt  }
0x54: {  	_ =	shalt  }
0x55: {  	_ =	shalt  }
0x56: {  	_ =	shalt  }
0x57: {  	_ =	shalt  }
0x58: {  	_ =	shalt  }
0x59: {  	_ =	shalt  }
0x5a: {  	_ =	shalt  }
0x5b: {  	_ =	shalt  }
0x5c: {  	_ =	shalt  }
0x5d: {  	_ =	shalt  }
0x5e: {  	_ =	shalt  }
0x5f: {  	_ =	shalt  }
0x60: {  	_ =	shalt  }
0x61: {  	_ =	shalt  }
0x62: {  	_ =	shalt  }
0x63: {  	_ =	shalt  }
0x64: {  	_ =	shalt  }
0x65: {  	_ =	shalt  }
0x66: {  	_ =	shalt  }
0x67: {  	_ =	shalt  }
0x68: {  	_ =	shalt  }
0x69: {  	_ =	shalt  }
0x6a: {  	_ =	shalt  }
0x6b: {  	_ =	shalt  }
0x6c: {  	_ =	shalt  }
0x6d: {  	_ =	shalt  }
0x6e: {  	_ =	shalt  }
0x6f: {  	_ =	shalt  }
0x70: {  	_ =	shalt  }
0x71: {  	_ =	shalt  }
0x72: {  	_ =	shalt  }
0x73: {  	_ =	shalt  }
0x74: {  	_ =	shalt  }
0x75: {  	_ =	shalt  }
0x76: {  	_ =	shalt  }
0x77: {  	_ =	shalt  }
0x78: {  	_ =	shalt  }
0x79: {  	_ =	shalt  }
0x7a: {  	_ =	shalt  }
0x7b: {  	_ =	shalt  }
0x7c: {  	_ =	shalt  }
0x7d: {  	_ =	shalt  }
0x7e: {  	_ =	shalt  }
0x7f: {  	_ =	shalt  }
0x80: {  	_ =	shalt  }
0x81: {  	_ =	shalt  }
0x82: {  	_ =	shalt  }
0x83: {  	_ =	shalt  }
0x84: {  	_ =	shalt  }
0x85: {  	_ =	shalt  }
0x86: {  	_ =	shalt  }
0x87: {  	_ =	shalt  }
.Lfunc_end0:
.L_simem_size_0:
called_computation_lowered:
.L_overlay_start_0:
0x88: {  	s2 =	sld [smem:$0x3FD9]  }
0x89: {  	s3 =	sld [smem:$0x3FFE];
	_ =	sdelay $0x1  }
0x8a: {  	s1 =	srdreg.scid  }
0x8b: {  	s0 =	sand.u32 $0x1, s1  }
0x8c: {  	s17 =	sshll.u32 s0, $0xA;
	s2 =	sadd.s32 s3, s2  }
0x8d: {  	s2 =	sadd.s32 s2, s17  }
0x8e: {  	[smem:$0x3FC4] =	sst s2  }
0x8f: {  	_ = 	snop  }
0x90: {  	s2 =	sld [smem:$0x3FC8]  }
0x91: {  	s18 =	sld [smem:$0x3FD0];
	(tm) =	ssettm $0x1  }
0x92: {  	s4 =	sld [smem:$0x3FFB];
	_ =	sdelay $0x3  }
0x93: {  	_ =	strace s4  }
0x94: {  	s4 =	sld [smem:$0x3FFC];
	_ =	sdelay $0x3  }
0x95: {  	_ =	strace s4  }
0x96: {  	s4 =	sld [smem:$0x3FFD];
	_ =	sdelay $0x3  }
0x97: {  	_ =	strace s4  }
0x98: {  	_ =	strace $0x8FFFFFFF  }
0x99: {  	s19 =	sld [smem:$0x3FDB];
	_ =	sdelay $0x1  }
0x9a: {  	s5 =	simm.s32 $_scs_section_size  }
0x9b: {  	s6 =	simm.s32 $_size__tile_overlayer_lowered;
	s7 =	simm.s32 $_tile_overlayer_lowered  }
0x9c: {  	s22 =	simm.s32 $0x1BFF;
	s21 =	sshll.u32 s7, $0x1;
	s4 =	sadd.s32 s5, s19  }
0x9d: {  	s8 =	simm.s32 $0x0;
	s20 =	sshll.u32 s6, $0x1;
	s6 =	sadd.s32 s21, s4  }
0x9e: {  	[timem:s8], [sflag:s22] =	dma.local [hbm:s6], s20  }
0x9f: {  	_ =	swait.ge [sflag:s22], s20  }
0xa0: {  	s5 =	ssub.s32 $0x0, s20;
	[sflag:s22] =	ssyncset.done $0x0  }
0xa1: {  	[sflag:s22] =	ssyncadd.s32 s5;
	_ =	sdelay $0x1  }
0xa2: {  	s23 =	simm.s32 $0x1B8B  }
0xa3: {  	_ =	swait.ge [sflag:s23], $0x1  }
0xa4: {  	[sflag:s23] =	ssyncset.done $0x0  }
0xa5: {  	s25 =	simm.s32 $0x1B8E;
	s24 =	sld [smem:$0x3FFE];
	[sflag:s23] =	ssyncadd.s32 $0xFFFFFFFF  }
0xa6: {  	s26 =	simm.s32 $execute0_lowered;
	[smem:$0x3FD2] =	sst s25  }
0xa7: {  	s6 =	sshll.u32 s26, $0x1;
	_ =	strace $0x80000046;
	[dreg:$0x1] =	wrdreg $0xFFFFFFFF  }
0xa8: {  	s28 =	simm.s32 $_size_execute0_lowered;
	s4 =	sadd.s32 s4, s6;
	[dreg:$0x0] =	wrdreg $0x0  }
0xa9: {  	s6 =	sshll.u32 s28, $0x1;
	[dreg:$0x2] =	wrdreg s4  }
0xaa: {  	[dreg:$0x3] =	wrdreg s6  }
0xab: {  	[dreg:$0x4] =	wrdreg $0xC0  }
0xac: {  	_ =	task [dreg:s8], $0x5FFFF  }
0xad: {  	[dreg:$0x1] =	wrdreg $0xFFFFFFFF  }
0xae: {  	[dreg:$0x0] =	wrdreg $0x60  }
0xaf: {  	[dreg:$0x2] =	wrdreg s24  }
0xb0: {  	[dreg:$0x3] =	wrdreg s2  }
0xb1: {  	[dreg:$0x4] =	wrdreg s18  }
0xb2: {  	[dreg:$0x5] =	wrdreg $0x9  }
0xb3: {  	_ =	task.clear_ibuf [dreg:s8], $0x6FFFF;
	_ =	strace $0x90000046  }
0xb4: {  	s29 =	simm.s32 $0x9;
	_ =	strace $0x80000048  }
0xb5: {  	_ =	swait.ge [sflag:s29], $0x1  }
0xb6: {  	[sflag:s29] =	ssyncadd.s32 $0xFFFFFFFF  }
0xb7: {  	_ =	strace $0x90000048  }
0xb8: {  	_ =	sfence  }
0xb9: {  	s30 =	sld [smem:$0x0];
	_ =	sdelay $0x2  }
0xba: {  	s31 =	sshll.u32 s1, $0xD;
	s1 =	sshrl.u32 s1, $0x2  }
0xbb: {  	s3 =	sand.u32 $0x4000, s31;
	s1 =	sadd.s32 s1, s30  }
0xbc: {  	s0 =	sor.u32 s3, s0;
	s1 =	sshll.u32 s1, $0x11  }
0xbd: {  	s0 =	sor.u32 s1, s0  }
0xbe: {  	s0 =	sadd.s32 $0x8F2B, s0  }
0xbf: {  	[sflag:s0] =	ssyncadd.remote.s32 $0x1  }
0xc0: {  	_ =	sfence.sel $0xFFFF  }
0xc1: {  	[dreg:$0x0] =	wrdreg $0xFFFFFFFF;
	(pc) =	sbr.abs _section_cstart, $3  }
0xc2: {  	[dreg:$0x1] =	wrdreg $0xFFFFFFFF  }
0xc3: {  	_ =	task.clear_ibuf [dreg:s8], $0x2FFFF;
	_ =	strace $0x9FFFFFFF  }
0xc4: {  	(tm) =	ssettm $0x7FFFFFFF  }
0xc5: {  	_ =	shalt  }
tec
execute0_lowered:
.L_overlay_start_1:
0x0: {  	(tag) =	ssettag $0x1  }
0x1: {  	s0 =	rddreg [dreg:$0x0];
	s1 =	srdreg.scid  }
0x2: {  	s3 =	stileid.u32;
	s2 =	rddreg [dreg:$0x2];
	s1 =	sand.u32 $0x1, s1  }
0x3: {  	s4 =	sshll.u32 s3, $0xA;
	s3 =	simm.s32 $0x0;
	s5 =	sshll.u32 s1, $0x9  }
0x4: {  	[smem:$0x7FF] =	sst s3;
	s1 =	ssub.s32 $0x2, s1;
	s4 =	sor.u32 s5, s4  }
0x5: {  	_ =	strace $0x80000047;
	s25 =	sshrl.u32 s1, $0x1;
	s6 =	sshll.u32 s4, $0x4  }
0x6: {  	v0 =	vimm.s32 $0xECA86420;
	vm0 =	vcmask $0xB08;
	vm1 =	vcmask $0x1310;
	s1 =	ssub.s32 s1, s25;
	[dreg:$0x5] =	wrdreg s4;
	s2 =	sadd.s32 s2, s6  }
0x7: {  	vm2 =	vcmask $0x1B18;
	vm3 =	vcmask $0x300;
	vm4 =	vcmask $0x2320;
	s5 =	smax.u32 s4, $0x8;
	s30 =	smax.u32 s1, $0x1;
	[dreg:$0x6] =	wrdreg s2  }
0x8: {  	vm5 =	vcmask $0x2B28;
	v1 =	vlaneseq.u32;
	vm6 =	vcmask $0x3330;
	s5 =	sadd.s32 $0xFFFFFFF8, s5;
	s26 =	sadd.s32 $0x800, s2;
	[dreg:$0xb] =	wrdreg s30  }
0x9: {  	vm7 =	vcmask $0x3B38;
	vm8 =	vmmov $0xff;
	vm10 =	vcmask $0x704;
	s5 =	sshrl.u32 s5, $0x3;
	s28 =	sadd.s32 $0x1000, s2;
	[dreg:$0x8] =	wrdreg s26  }
0xa: {  	vm11 =	vcmask $0xF0C;
	vm12 =	vcmask $0x1714;
	v0 =	vunpack.c.l.s4.s8 v0;
	s29 =	sadd.s32 $0x1800, s2;
	s0 =	sadd.s32 s5, s0;
	[dreg:$0x9] =	wrdreg s28  }
0xb: {  	vm13 =	vcmask $0x1F1C;
	vm14 =	vcmask $0x2724;
	vm15 =	vcmask $0x2F2C;
	s31 =	smin.u32 s4, $0x8;
	[dreg:$0xa] =	wrdreg s29;
	s0 =	sadd.s32 $0x800, s0  }
0xc: {  	s23 =	simm.s32 $0x480;
	v2 =	vmul.u32 $0x2, v1;
	v0 =	vunpack.c.0.s8.s32 v0;
	v3 =	vmov s31;
	s2 =	simm.s32 $0x0;
	[dreg:$0x7] =	wrdreg s0  }
.LBB2_1:
0xd: {  	[dreg:$0xc] =	wrdreg s2  }
0xe: {  	s0 =	rddreg [dreg:$0x7];
	s1 =	simm.s32 $0x10;
	s21 =	simm.s32 $0x3  }
0xf: {  	[tilespmem:s1], [sflag:$0x3] =	stream.linear.gather [hbm4b:s0+s3], $0x208, $0x38;
	[tilespmem:$0x10480] =	vst v63  }
0x10: {  	_ =	swait.ge [sflag:s21], $0x208  }
0x11: {  	[sflag:s21] =	ssyncset.done $0x0  }
0x12: {  	s25 =	simm.s32 $0x0;
	[sflag:s21] =	ssyncadd.s32 $0xFFFFFDF8  }
0x13: {  	v4 =	vld.idx.msk [tilespmem:v3+s25+$0x10 ss:$0x1], $0xffff  }
0x14: {  	v5 =	vld.idx.msk [tilespmem:v3+s25+$0xF ss:$0x1], $0xffff;
	_ =	sdelay $0x4  }
0x15: {  	v4 =	vmul.u32 $0x8DD9, v4;
	v5 =	vmul.u32 $0x6A37, v5;
	_ =	sdelay $0x1  }
0x16: {  	v4 =	vxor.u32 v4, v5  }
0x17: {  	(v2sf) =	vpush v4, $0x1  }
0x18: {  	(v2sf) =	vpush v4, $0x8;
	_ =	sdelay $0x2  }
0x19: {  	(v2sf) =	vpush v4, $0x0  }
0x1a: {  	(v2sf) =	vpush v4, $0x2;
	_ =	sdelay $0x1  }
0x1b: {  	(v2sf) =	vpush v4, $0x3;
	_ =	sdelay $0x1  }
0x1c: {  	(v2sf) =	vpush v4, $0xC  }
0x1d: {  	(v2sf) =	vpush v4, $0xD;
	_ =	sdelay $0x1  }
0x1e: {  	(v2sf) =	vpush v4, $0x7;
	_ =	sdelay $0x1  }
0x1f: {  	(v2sf) =	vpush v4, $0xE  }
0x20: {  	(v2sf) =	vpush v4, $0x9;
	s22 =	spop (v2sf)  }
0x21: {  	(v2sf) =	vpush v4, $0xA;
	s24 =	smulhi.u32 $0x431BE2E9, s22;
	s26 =	spop (v2sf)  }
0x22: {  	(v2sf) =	vpush v4, $0xF;
	s0 =	sshra.s32 s22, $0x1F;
	s5 =	smulhi.u32 $0x431BE2E9, s26  }
0x23: {  	(v2sf) =	vpush v4, $0x4;
	s2 =	sshra.s32 s26, $0x1F;
	s0 =	smul.u32 $0x431BE2E9, s0  }
0x24: {  	s6 =	spop (v2sf);
	s2 =	smul.u32 $0x431BE2E9, s2  }
0x25: {  	s7 =	spop (v2sf);
	s8 =	smulhi.u32 $0x431BE2E9, s6  }
0x26: {  	s6 =	sshra.s32 s6, $0x1F;
	s10 =	smulhi.u32 $0x431BE2E9, s7  }
0x27: {  	s26 =	simm.s32 $0x40;
	s9 =	spop (v2sf);
	s6 =	smul.u32 $0x431BE2E9, s6  }
0x28: {  	s7 =	sshra.s32 s7, $0x1F;
	s14 =	sshra.s32 s9, $0x1F;
	s9 =	smulhi.u32 $0x431BE2E9, s9  }
0x29: {  	s20 =	sadd.s32 s0, s24;
	s11 =	spop (v2sf);
	s31 =	smul.u32 $0x431BE2E9, s7  }
0x2a: {  	s2 =	sadd.s32 s2, s5;
	s12 =	smulhi.u32 $0x431BE2E9, s11;
	s13 =	spop (v2sf)  }
0x2b: {  	s14 =	smul.u32 $0x431BE2E9, s14;
	s11 =	sshra.s32 s11, $0x1F;
	s6 =	sadd.s32 s6, s8  }
0x2c: {  	s15 =	smulhi.u32 $0x431BE2E9, s13;
	s16 =	spop (v2sf);
	s13 =	sshra.s32 s13, $0x1F  }
0x2d: {  	s10 =	sadd.s32 s31, s10;
	s31 =	sshrl.u32 s20, $0x1F;
	s11 =	smul.u32 $0x431BE2E9, s11  }
0x2e: {  	s17 =	spop (v2sf);
	s0 =	sadd.s32 s14, s9;
	s13 =	smul.u32 $0x431BE2E9, s13  }
0x2f: {  	s3 =	sshra.s32 s16, $0x1F;
	s16 =	smulhi.u32 $0x431BE2E9, s16;
	s19 =	spop (v2sf)  }
0x30: {  	(v2sf) =	vpush v4, $0xB;
	s18 =	smulhi.u32 $0x431BE2E9, s17;
	s17 =	sshra.s32 s17, $0x1F;
	s4 =	spop (v2sf)  }
0x31: {  	(v2sf) =	vpush v4, $0x5;
	s12 =	sadd.s32 s11, s12;
	s21 =	smulhi.u32 $0x431BE2E9, s19;
	s24 =	spop (v2sf)  }
0x32: {  	s11 =	sshrl.u32 s0, $0x1F;
	s22 =	smul.u32 $0x431BE2E9, s17;
	s14 =	spop (v2sf);
	(v2sf) =	vpush v4, $0x6  }
0x33: {  	s19 =	sshra.s32 s19, $0x1F;
	s13 =	sadd.s32 s13, s15;
	s17 =	sshra.s32 s12, $0x12  }
0x34: {  	s9 =	sshrl.u32 s12, $0x1F;
	s28 =	smulhi.u32 $0x431BE2E9, s4;
	s7 =	sshra.s32 s4, $0x1F  }
0x35: {  	s15 =	smul.u32 $0x431BE2E9, s19;
	s19 =	sshra.s32 s13, $0x12;
	v5 =	vmov s17;
	s17 =	sshrl.u32 s13, $0x1F  }
0x36: {  	s13 =	rddreg [dreg:$0x5];
	s5 =	smulhi.u32 $0x431BE2E9, s24;
	s4 =	sshra.s32 s24, $0x1F  }
0x37: {  	s1 =	sadd.s32 s22, s18;
	s7 =	smul.u32 $0x431BE2E9, s7;
	s22 =	sshrl.u32 s2, $0x1F  }
0x38: {  	s2 =	sshra.s32 s2, $0x12;
	s18 =	sshra.s32 s20, $0x12;
	s24 =	smul.u32 $0x431BE2E9, s3  }
0x39: {  	s20 =	sshra.s32 s20, $0x1F;
	s8 =	sadd.s32 s15, s21;
	v6 =	vmov s22;
	s22 =	sshrl.u32 s6, $0x1F  }
0x3a: {  	s4 =	smul.u32 $0x431BE2E9, s4;
	s28 =	sadd.s32 s7, s28;
	s29 =	sadd.s32 s24, s16  }
0x3b: {  	v10 =	vmov s9;
	s21 =	sshrl.u32 s8, $0x1F;
	s24 =	sshra.s32 s1, $0x12;
	s16 =	sshrl.u32 s10, $0x1F  }
0x3c: {  	v5 =	vsel vm0, s19, v5;
	v7 =	vmov s2;
	v9 =	vmov s22;
	s19 =	sshra.s32 s8, $0x12;
	s22 =	sshra.s32 s6, $0x1F;
	s8 =	sshra.s32 s10, $0x1F  }
0x3d: {  	v8 =	vsel vm0, s21, v6;
	v6 =	vsel vm1, s24, v5;
	s12 =	sshrl.u32 s28, $0x1F;
	v5 =	vor.u32 s13, v1;
	s15 =	sshra.s32 s29, $0x1F;
	s21 =	sshra.s32 s6, $0x12  }
0x3e: {  	v7 =	vsel vm0, s19, v7;
	v9 =	vnsel vm3, $0x0, v9;
	s24 =	sshra.s32 s28, $0x12;
	s28 =	smov.u32 s13;
	s3 =	sshra.s32 s14, $0x1F;
	v11 =	vmov s15  }
0x3f: {  	s30 =	spop (v2sf);
	v8 =	vsel vm1, s12, v8;
	v5 =	vand.u32 $0xE7F, v5;
	s15 =	sadd.s32 s4, s5;
	s5 =	sshra.s32 s10, $0x12;
	v11 =	vsel vm3, s21, v11  }
0x40: {  	v9 =	vsel vm0, s31, v9;
	v7 =	vsel vm1, s24, v7;
	s7 =	smul.u32 $0x431BE2E9, s3;
	s2 =	sshra.s32 s30, $0x1F;
	s6 =	spop (v2sf);
	v11 =	vsel vm10, s22, v11  }
.LBB2_2:
0x41: {  	v10 =	vsel vm0, s17, v10;
	s3 =	smulhi.u32 $0x431BE2E9, s6;
	s28 =	sadd.s32 $0x10, s28;
	s4 =	spop (v2sf)  }
0x42: {  	v11 =	vsel vm0, s18, v11;
	s10 =	sshra.s32 s0, $0x12;
	v12 =	vor.u32 s28, v1;
	s9 =	smulhi.u32 $0x431BE2E9, s4;
	s4 =	sshra.s32 s4, $0x1F  }
0x43: {  	p0 =	sne.s32 s26, $0x1C0;
	s12 =	smulhi.u32 $0x431BE2E9, s30;
	s13 =	sshra.s32 s0, $0x1F;
	v11 =	vsel vm11, s20, v11;
	v12 =	vand.u32 $0xE7F, v12  }
0x44: {  	s14 =	smulhi.u32 $0x431BE2E9, s14;
	s0 =	smov.u32 s26;
	s26 =	sadd.s32 $0x40, s26;
	v11 =	vsel vm1, s5, v11  }
0x45: {  	s2 =	smul.u32 $0x431BE2E9, s2;
	s5 =	sshra.s32 s6, $0x1F;
	v11 =	vsel vm12, s8, v11  }
0x46: {  	s6 =	sadd.s32 s7, s14;
	s5 =	smul.u32 $0x431BE2E9, s5;
	v11 =	vsel vm2, s10, v11  }
0x47: {  	s1 =	sshrl.u32 s1, $0x1F;
	s2 =	sadd.s32 s2, s12;
	s7 =	sshra.s32 s6, $0x12;
	v11 =	vsel vm13, s13, v11  }
0x48: {  	v10 =	vsel vm1, s1, v10;
	s1 =	sshrl.u32 s15, $0x1F;
	s8 =	sshrl.u32 s2, $0x1F;
	v11 =	vsel vm4, s7, v11;
	s7 =	sshra.s32 s6, $0x1F  }
0x49: {  	v10 =	vsel vm2, s1, v10;
	v8 =	vsel vm2, s8, v8;
	s1 =	sadd.s32 s5, s3;
	s3 =	smul.u32 $0x431BE2E9, s4;
	v11 =	vsel vm14, s7, v11  }
0x4a: {  	v9 =	vsel vm1, s16, v9;
	vm9 =	vcmask $0x3734;
	v8 =	vcombine.low v8, v10;
	s4 =	sshra.s32 s15, $0x12;
	s5 =	sshra.s32 s1, $0x12  }
0x4b: {  	v9 =	vsel vm2, s11, v9;
	s6 =	sshrl.u32 s6, $0x1F;
	v6 =	vsel vm2, s4, v6;
	s4 =	sshra.s32 s1, $0x1F;
	s3 =	sadd.s32 s3, s9;
	v10 =	vsel vm5, s5, v11  }
0x4c: {  	s2 =	sshra.s32 s2, $0x12;
	s1 =	sshrl.u32 s1, $0x1F;
	v8 =	vperm.xlane v8, v0;
	v9 =	vsel vm4, s6, v9;
	v10 =	vsel vm15, s4, v10;
	s4 =	sshra.s32 s3, $0x12  }
0x4d: {  	v7 =	vsel vm2, s2, v7;
	v9 =	vsel vm5, s1, v9;
	s1 =	sshrl.u32 s3, $0x1F;
	s2 =	sshra.s32 s3, $0x1F;
	s3 =	sshra.s32 s29, $0x12;
	v10 =	vsel vm6, s4, v10  }
0x4e: {  	v6 =	vcombine.low v7, v6;
	v9 =	vsel vm6, s1, v9;
	s1 =	sshrl.u32 s29, $0x1F;
	v7 =	vsel vm9, s2, v10  }
0x4f: {  	v9 =	vsel vm7, s1, v9;
	v7 =	vsel vm7, s3, v7  }
0x50: {  	v6 =	vperm.xlane v6, v0;
	v9 =	vperm.xlane v9, v2  }
0x51: {  	v7 =	vperm.xlane v7, v2  }
0x52: {  	v8 =	vsel vm8, v9, v8  }
0x53: {  	v6 =	vsel vm8, v7, v6  }
0x54: {  	v6 =	vadd.s32 v8, v6  }
0x55: {  	v6 =	vmul.u32 $0xF423F, v6;
	_ =	sdelay $0x1  }
0x56: {  	v4 =	vsub.s32 v4, v6  }
0x57: {  	vm10 =	veq.s32 v5, $0x0;
	v5 =	vmovc v12;
	vm9 =	vlt.s32 v4, $0x0;
	v6 =	vadd.s32 $0xF423F, v4  }
0x58: {  	v4 =	vsel vm9, v6, v4  }
0x59: {  	v4 =	vsel vm10, $0xF423F, v4  }
0x5a: {  	[tilespmem:s25+$0x280] =	vst v4;
	s25 =	sshra.s32 s0, $0x2  }
0x5b: {  	v4 =	vld.idx.msk [tilespmem:v3+s25+$0x10 ss:$0x1], $0xffff  }
0x5c: {  	v6 =	vld.idx.msk [tilespmem:v3+s25+$0xF ss:$0x1], $0xffff;
	_ =	sdelay $0x4  }
0x5d: {  	v4 =	vmul.u32 $0x8DD9, v4  }
0x5e: {  	v6 =	vmul.u32 $0x6A37, v6;
	_ =	sdelay $0x1  }
0x5f: {  	v4 =	vxor.u32 v4, v6  }
0x60: {  	(v2sf) =	vpush v4, $0x1  }
0x61: {  	(v2sf) =	vpush v4, $0x8  }
0x62: {  	(v2sf) =	vpush v4, $0x0  }
0x63: {  	(v2sf) =	vpush v4, $0x2  }
0x64: {  	(v2sf) =	vpush v4, $0x3;
	_ =	sdelay $0x1  }
0x65: {  	(v2sf) =	vpush v4, $0xC  }
0x66: {  	(v2sf) =	vpush v4, $0xD  }
0x67: {  	(v2sf) =	vpush v4, $0x7;
	_ =	sdelay $0x1  }
0x68: {  	(v2sf) =	vpush v4, $0xE  }
0x69: {  	(v2sf) =	vpush v4, $0x9;
	_ =	sdelay $0x1  }
0x6a: {  	(v2sf) =	vpush v4, $0xA;
	_ =	sdelay $0x1  }
0x6b: {  	(v2sf) =	vpush v4, $0xF;
	s0 =	spop (v2sf)  }
0x6c: {  	s1 =	smulhi.u32 $0x431BE2E9, s0;
	s2 =	spop (v2sf)  }
0x6d: {  	s0 =	sshra.s32 s0, $0x1F;
	s3 =	smulhi.u32 $0x431BE2E9, s2  }
0x6e: {  	(v2sf) =	vpush v4, $0x4;
	s2 =	sshra.s32 s2, $0x1F;
	s0 =	smul.u32 $0x431BE2E9, s0  }
0x6f: {  	s4 =	spop (v2sf);
	s2 =	smul.u32 $0x431BE2E9, s2  }
0x70: {  	s5 =	spop (v2sf);
	s7 =	smulhi.u32 $0x431BE2E9, s4;
	s11 =	sshra.s32 s4, $0x1F  }
0x71: {  	s8 =	sshra.s32 s5, $0x1F;
	s6 =	spop (v2sf);
	s4 =	smulhi.u32 $0x431BE2E9, s5  }
0x72: {  	s15 =	sadd.s32 s0, s1;
	s5 =	sshra.s32 s6, $0x1F;
	(v2sf) =	vpush v4, $0xB;
	s0 =	smulhi.u32 $0x431BE2E9, s6  }
0x73: {  	s8 =	smul.u32 $0x431BE2E9, s8;
	s9 =	spop (v2sf)  }
0x74: {  	s10 =	smulhi.u32 $0x431BE2E9, s9;
	s12 =	sshra.s32 s9, $0x1F;
	s9 =	spop (v2sf)  }
0x75: {  	s13 =	smulhi.u32 $0x431BE2E9, s9;
	s16 =	spop (v2sf)  }
0x76: {  	s2 =	sadd.s32 s2, s3;
	s1 =	sshra.s32 s9, $0x1F;
	s17 =	sshra.s32 s16, $0x1F  }
0x77: {  	s5 =	smul.u32 $0x431BE2E9, s5;
	s30 =	sshrl.u32 s2, $0x1F;
	s6 =	spop (v2sf)  }
0x78: {  	s18 =	smulhi.u32 $0x431BE2E9, s6;
	s9 =	sshra.s32 s6, $0x1F;
	s14 =	spop (v2sf)  }
0x79: {  	s0 =	sadd.s32 s5, s0;
	s6 =	sshrl.u32 s15, $0x1F;
	s19 =	smulhi.u32 $0x431BE2E9, s14  }
0x7a: {  	s12 =	smul.u32 $0x431BE2E9, s12;
	s5 =	sshra.s32 s14, $0x1F;
	s14 =	spop (v2sf)  }
0x7b: {  	s2 =	sshra.s32 s2, $0x12;
	s3 =	smulhi.u32 $0x431BE2E9, s14;
	s20 =	sshra.s32 s14, $0x1F  }
0x7c: {  	s8 =	sadd.s32 s8, s4;
	s21 =	smul.u32 $0x431BE2E9, s9;
	s4 =	spop (v2sf);
	(v2sf) =	vpush v4, $0x5  }
0x7d: {  	s9 =	smulhi.u32 $0x431BE2E9, s4;
	s4 =	sshra.s32 s4, $0x1F;
	s14 =	spop (v2sf);
	(v2sf) =	vpush v4, $0x6  }
0x7e: {  	v7 =	vmov s2;
	s29 =	smul.u32 $0x431BE2E9, s1;
	s2 =	sadd.s32 s12, s10  }
0x7f: {  	v6 =	vmov s30;
	s1 =	sadd.s32 s21, s18;
	s21 =	smulhi.u32 $0x431BE2E9, s16;
	s18 =	sshra.s32 s15, $0x12  }
0x80: {  	s16 =	smul.u32 $0x431BE2E9, s20;
	s20 =	sshra.s32 s15, $0x1F;
	s31 =	sshra.s32 s14, $0x1F  }
0x81: {  	s10 =	smul.u32 $0x431BE2E9, s17;
	s13 =	sadd.s32 s29, s13;
	s30 =	spop (v2sf)  }
0x82: {  	s22 =	sshra.s32 s13, $0x12;
	s15 =	smul.u32 $0x431BE2E9, s11;
	s3 =	sadd.s32 s16, s3  }
0x83: {  	s5 =	smul.u32 $0x431BE2E9, s5;
	s11 =	sshrl.u32 s0, $0x1F  }
0x84: {  	s12 =	sshra.s32 s2, $0x12;
	s17 =	sshrl.u32 s13, $0x1F;
	s7 =	sadd.s32 s15, s7  }
0x85: {  	s5 =	sadd.s32 s5, s19;
	s16 =	sshrl.u32 s8, $0x1F;
	s13 =	sshra.s32 s7, $0x12  }
0x86: {  	v8 =	vmov s12;
	s29 =	sadd.s32 s10, s21;
	s12 =	sshrl.u32 s5, $0x1F;
	s10 =	sshra.s32 s7, $0x1F  }
.Ltmp0:
0x87: {  	vm9 =	vcmask $0x704;
	v8 =	vsel vm0, s22, v8;
	s15 =	sshra.s32 s1, $0x12;
	s7 =	sshrl.u32 s7, $0x1F;
	(pc) =	sbr.rel @p0 .LBB2_2-.Ltmp0, $4  }
0x88: {  	s2 =	sshrl.u32 s2, $0x1F;
	v9 =	vsel vm0, s12, v6;
	s12 =	sshrl.u32 s3, $0x1F;
	v6 =	vsel vm1, s15, v8;
	v11 =	vmov s7;
	s7 =	sshra.s32 s29, $0x1F  }
0x89: {  	v10 =	vmov s2;
	s2 =	smul.u32 $0x431BE2E9, s4;
	s4 =	sshra.s32 s5, $0x12;
	s5 =	sshra.s32 s8, $0x12;
	v8 =	vsel vm1, s12, v9;
	v9 =	vmov s7  }
0x8a: {  	s8 =	sshra.s32 s8, $0x1F;
	v7 =	vsel vm0, s4, v7;
	s3 =	sshra.s32 s3, $0x12;
	v11 =	vnsel vm3, $0x0, v11;
	s7 =	smul.u32 $0x431BE2E9, s31;
	v12 =	vsel vm3, s13, v9  }
0x8b: {  	s15 =	sadd.s32 s2, s9;
	v7 =	vsel vm1, s3, v7;
	s2 =	sshra.s32 s30, $0x1F;
	v9 =	vsel vm0, s6, v11;
	v11 =	vsel vm9, s10, v12;
	s6 =	spop (v2sf)  }
0x8c: {  	s3 =	smulhi.u32 $0x431BE2E9, s6  }
0x8d: {  	v11 =	vsel vm0, s18, v11;
	s10 =	smulhi.u32 $0x431BE2E9, s30  }
0x8e: {  	s4 =	spop (v2sf);
	s12 =	smulhi.u32 $0x431BE2E9, s14;
	s13 =	sshra.s32 s0, $0x12;
	v11 =	vsel vm11, s20, v11  }
0x8f: {  	s2 =	smul.u32 $0x431BE2E9, s2;
	s21 =	sshra.s32 s6, $0x1F;
	s1 =	sshrl.u32 s1, $0x1F;
	v11 =	vsel vm1, s5, v11  }
0x90: {  	s26 =	sshrl.u32 s15, $0x1F;
	s9 =	smulhi.u32 $0x431BE2E9, s4;
	s4 =	sshra.s32 s4, $0x1F;
	v11 =	vsel vm12, s8, v11  }
0x91: {  	v10 =	vsel vm0, s17, v10;
	s20 =	sshra.s32 s0, $0x1F;
	s22 =	sadd.s32 s7, s12;
	s5 =	smul.u32 $0x431BE2E9, s21;
	v11 =	vsel vm2, s13, v11  }
0x92: {  	v9 =	vsel vm1, s16, v9;
	vm9 =	vcmask $0x3734;
	s2 =	sadd.s32 s2, s10;
	s12 =	smul.u32 $0x431BE2E9, s4;
	s24 =	sshra.s32 s22, $0x12;
	v11 =	vsel vm13, s20, v11  }
0x93: {  	v10 =	vsel vm1, s1, v10;
	v9 =	vsel vm2, s11, v9;
	s30 =	sshrl.u32 s2, $0x1F;
	s8 =	sshra.s32 s22, $0x1F;
	s10 =	sadd.s32 s5, s3;
	v11 =	vsel vm4, s24, v11  }
0x94: {  	v10 =	vsel vm2, s26, v10;
	s17 =	sshra.s32 s2, $0x12;
	v8 =	vsel vm2, s30, v8;
	s13 =	sshra.s32 s15, $0x12;
	s14 =	sshra.s32 s10, $0x12;
	v11 =	vsel vm14, s8, v11  }
0x95: {  	s15 =	sshrl.u32 s22, $0x1F;
	s3 =	sadd.s32 s12, s9;
	v7 =	vsel vm2, s17, v7;
	v8 =	vcombine.low v8, v10;
	s16 =	sshra.s32 s10, $0x1F;
	v63 =	vsel vm5, s14, v11  }
0x96: {  	v9 =	vsel vm4, s15, v9;
	s1 =	sshrl.u32 s10, $0x1F;
	v6 =	vsel vm2, s13, v6;
	s18 =	sshra.s32 s3, $0x12;
	v10 =	vsel vm15, s16, v63  }
0x97: {  	s19 =	sshrl.u32 s3, $0x1F;
	s20 =	sshra.s32 s3, $0x1F;
	v9 =	vsel vm5, s1, v9;
	v6 =	vcombine.low v7, v6;
	v10 =	vsel vm6, s18, v10  }
0x98: {  	s21 =	sshrl.u32 s29, $0x1F;
	s22 =	sshra.s32 s29, $0x12;
	v9 =	vsel vm6, s19, v9;
	v8 =	vperm.xlane v8, v0;
	v7 =	vsel vm9, s20, v10  }
0x99: {  	v9 =	vsel vm7, s21, v9;
	v6 =	vperm.xlane v6, v0;
	v7 =	vsel vm7, s22, v7  }
0x9a: {  	v9 =	vperm.xlane v9, v2;
	v7 =	vperm.xlane v7, v2;
	_ =	sdelay $0x1  }
0x9b: {  	v8 =	vsel vm8, v9, v8;
	v6 =	vsel vm8, v7, v6  }
0x9c: {  	v6 =	vadd.s32 v8, v6  }
0x9d: {  	v6 =	vmul.u32 $0xF423F, v6;
	_ =	sdelay $0x1  }
0x9e: {  	v4 =	vsub.s32 v4, v6  }
0x9f: {  	vm9 =	vlt.s32 v4, $0x0;
	v6 =	vadd.s32 $0xF423F, v4  }
0xa0: {  	vm10 =	veq.s32 v5, $0x0;
	v4 =	vsel vm9, v6, v4  }
0xa1: {  	v4 =	vsel vm10, $0xF423F, v4  }
0xa2: {  	s26 =	simm.s32 $0x280;
	s24 =	rddreg [dreg:$0x1];
	[tilespmem:s25+$0x280] =	vst v4;
	s25 =	simm.s32 $0x80  }
0xa3: {  	[tilespmem:s23], [sflag:$0x1] =	stream.indirect.gather [hbm4b:s24+s25], $0x80, s26, s25, $0xb8;
	[tilespmem:$0x10480] =	vst v63  }
0xa4: {  	s24 =	simm.s32 $0x0  }
0xa5: {  	v4 =	vld.idx.msk [tilespmem:v3+s24+$0x90 ss:$0x1], $0xffff  }
0xa6: {  	v5 =	vld.idx.msk [tilespmem:v3+s24+$0x8F ss:$0x1], $0xffff;
	_ =	sdelay $0x4  }
0xa7: {  	v4 =	vmul.u32 $0x8DD9, v4;
	v5 =	vmul.u32 $0x6A37, v5;
	_ =	sdelay $0x1  }
0xa8: {  	v4 =	vxor.u32 v4, v5  }
0xa9: {  	(v2sf) =	vpush v4, $0xE;
	_ =	sdelay $0x1  }
0xaa: {  	(v2sf) =	vpush v4, $0xC  }
0xab: {  	(v2sf) =	vpush v4, $0xA  }
0xac: {  	(v2sf) =	vpush v4, $0x2;
	_ =	sdelay $0x1  }
0xad: {  	(v2sf) =	vpush v4, $0xD  }
0xae: {  	(v2sf) =	vpush v4, $0x3  }
0xaf: {  	(v2sf) =	vpush v4, $0x0  }
0xb0: {  	(v2sf) =	vpush v4, $0x7  }
0xb1: {  	(v2sf) =	vpush v4, $0x6;
	_ =	sdelay $0x1  }
0xb2: {  	(v2sf) =	vpush v4, $0x8  }
0xb3: {  	(v2sf) =	vpush v4, $0xF  }
0xb4: {  	(v2sf) =	vpush v4, $0x9  }
0xb5: {  	s30 =	spop (v2sf)  }
0xb6: {  	s2 =	smulhi.u32 $0x431BE2E9, s30;
	s0 =	sshra.s32 s30, $0x1F  }
0xb7: {  	s3 =	spop (v2sf);
	s4 =	smul.u32 $0x431BE2E9, s0  }
0xb8: {  	s1 =	spop (v2sf);
	s12 =	sshra.s32 s3, $0x1F;
	s3 =	smulhi.u32 $0x431BE2E9, s3  }
0xb9: {  	s5 =	smulhi.u32 $0x431BE2E9, s1;
	s6 =	spop (v2sf)  }
0xba: {  	s0 =	sshra.s32 s1, $0x1F;
	s25 =	smulhi.u32 $0x431BE2E9, s6  }
0xbb: {  	s7 =	spop (v2sf);
	s10 =	smul.u32 $0x431BE2E9, s0  }
0xbc: {  	(v2sf) =	vpush v4, $0xB;
	s8 =	smulhi.u32 $0x431BE2E9, s7;
	s9 =	spop (v2sf)  }
0xbd: {  	(v2sf) =	vpush v4, $0x1;
	s30 =	spop (v2sf);
	s31 =	smulhi.u32 $0x431BE2E9, s9  }
0xbe: {  	s0 =	sshra.s32 s6, $0x1F;
	s1 =	smulhi.u32 $0x431BE2E9, s30;
	s15 =	spop (v2sf)  }
0xbf: {  	s20 =	sshra.s32 s9, $0x1F;
	s16 =	smulhi.u32 $0x431BE2E9, s15;
	s18 =	spop (v2sf)  }
0xc0: {  	(v2sf) =	vpush v4, $0x4;
	[dreg:$0x4] =	wrdreg s20;
	s13 =	smulhi.u32 $0x431BE2E9, s18;
	s19 =	sshra.s32 s18, $0x1F  }
0xc1: {  	s2 =	sadd.s32 s4, s2;
	s21 =	spop (v2sf);
	s17 =	smul.u32 $0x431BE2E9, s19  }
0xc2: {  	s22 =	sshra.s32 s21, $0x1F;
	s23 =	smulhi.u32 $0x431BE2E9, s21;
	s14 =	spop (v2sf)  }
0xc3: {  	s6 =	sshra.s32 s7, $0x1F;
	s7 =	smul.u32 $0x431BE2E9, s22;
	s19 =	spop (v2sf)  }
0xc4: {  	s20 =	sshra.s32 s15, $0x1F;
	s15 =	sshra.s32 s30, $0x1F;
	s30 =	smulhi.u32 $0x431BE2E9, s19  }
0xc5: {  	s11 =	sadd.s32 s10, s5;
	s22 =	sshra.s32 s19, $0x1F;
	s19 =	smulhi.u32 $0x431BE2E9, s14  }
0xc6: {  	s18 =	sshrl.u32 s2, $0x1F;
	s28 =	sadd.s32 s17, s13;
	s13 =	smul.u32 $0x431BE2E9, s12  }
0xc7: {  	s10 =	sshra.s32 s14, $0x1F;
	s17 =	sshra.s32 s2, $0x12;
	s2 =	smul.u32 $0x431BE2E9, s6  }
0xc8: {  	s26 =	simm.s32 $0x40;
	s5 =	smul.u32 $0x431BE2E9, s10;
	s7 =	sadd.s32 s7, s23  }
0xc9: {  	s22 =	smul.u32 $0x431BE2E9, s22;
	s29 =	sshra.s32 s28, $0x12;
	s4 =	sshrl.u32 s7, $0x1F  }
0xca: {  	s9 =	sadd.s32 s13, s3;
	s13 =	sshra.s32 s7, $0x12;
	s8 =	sadd.s32 s2, s8  }
0xcb: {  	s21 =	spop (v2sf);
	s6 =	sadd.s32 s22, s30;
	s30 =	sshra.s32 s11, $0x12  }
0xcc: {  	s23 =	sshra.s32 s21, $0x1F;
	s14 =	spop (v2sf);
	s21 =	smulhi.u32 $0x431BE2E9, s21  }
0xcd: {  	v5 =	vmov s13;
	s10 =	sshrl.u32 s9, $0x1F;
	s3 =	sshra.s32 s6, $0x12;
	s7 =	smulhi.u32 $0x431BE2E9, s14  }
0xce: {  	vm10 =	vcmask $0x704;
	v6 =	vmov s4;
	s22 =	sshrl.u32 s6, $0x1F;
	s14 =	sshra.s32 s14, $0x1F;
	v7 =	vsel vm0, s3, v5;
	s13 =	smul.u32 $0x431BE2E9, s23  }
0xcf: {  	(v2sf) =	vpush v4, $0x5;
	s2 =	sshra.s32 s8, $0x12;
	v5 =	vsel vm0, s22, v6;
	s6 =	spop (v2sf);
	v6 =	vsel vm1, s30, v7;
	s12 =	smul.u32 $0x431BE2E9, s14  }
.LBB2_4:
0xd0: {  	_ =	sdelay $0x7  }
0xd1: {  	s4 =	smul.u32 $0x431BE2E9, s20  }
0xd2: {  	s3 =	sshrl.u32 s8, $0x1F;
	s9 =	sshra.s32 s9, $0x12;
	s30 =	smul.u32 $0x431BE2E9, s15  }
0xd3: {  	v8 =	vmov s10;
	s10 =	sshrl.u32 s11, $0x1F;
	s0 =	smul.u32 $0x431BE2E9, s0;
	s13 =	sadd.s32 s13, s21  }
0xd4: {  	v7 =	vmov s9;
	s9 =	sadd.s32 s5, s19;
	v5 =	vsel vm1, s10, v5;
	s19 =	sadd.s32 s12, s7;
	s10 =	rddreg [dreg:$0x4]  }
0xd5: {  	v8 =	vsel vm0, s3, v8;
	s15 =	sadd.s32 s4, s16;
	v7 =	vsel vm0, s2, v7;
	s14 =	sshrl.u32 s9, $0x1F;
	s4 =	sshra.s32 s9, $0x12  }
0xd6: {  	s16 =	sshra.s32 s13, $0x12;
	v8 =	vsel vm1, s18, v8;
	s18 =	sadd.s32 s30, s1;
	s11 =	sshra.s32 s15, $0x1F;
	v7 =	vsel vm1, s17, v7  }
0xd7: {  	s30 =	sshra.s32 s19, $0x12;
	v6 =	vsel vm2, s16, v6;
	s21 =	sshra.s32 s18, $0x12;
	v9 =	vmov s11;
	v7 =	vsel vm2, s4, v7;
	s23 =	spop (v2sf)  }
0xd8: {  	v6 =	vcombine.low v6, v7;
	v7 =	vsel vm3, s21, v9;
	s20 =	smulhi.u32 $0x431BE2E9, s23;
	s8 =	sshra.s32 s23, $0x1F;
	s23 =	sshra.s32 s18, $0x1F  }
0xd9: {  	s0 =	sadd.s32 s0, s25;
	s2 =	sshra.s32 s19, $0x1F;
	s1 =	smul.u32 $0x431BE2E9, s10;
	v7 =	vsel vm10, s23, v7  }
0xda: {  	s17 =	sshrl.u32 s13, $0x1F;
	v8 =	vsel vm2, s14, v8;
	s13 =	smulhi.u32 $0x431BE2E9, s6;
	s14 =	sshra.s32 s6, $0x1F;
	v7 =	vsel vm0, s30, v7  }
0xdb: {  	s12 =	sshra.s32 s0, $0x12;
	s16 =	smul.u32 $0x431BE2E9, s14;
	v7 =	vsel vm11, s2, v7  }
0xdc: {  	v5 =	vsel vm2, s17, v5;
	s1 =	sadd.s32 s1, s31;
	s17 =	sshra.s32 s0, $0x1F;
	s8 =	smul.u32 $0x431BE2E9, s8;
	v7 =	vsel vm1, s12, v7  }
0xdd: {  	s9 =	sshrl.u32 s18, $0x1F;
	s18 =	sshra.s32 s1, $0x12;
	v7 =	vsel vm12, s17, v7  }
0xde: {  	v5 =	vcombine.low v5, v8;
	v8 =	vmov s9;
	s11 =	sadd.s32 s8, s20;
	s2 =	sadd.s32 s16, s13;
	s20 =	sshra.s32 s1, $0x1F;
	v7 =	vsel vm2, s18, v7  }
0xdf: {  	s22 =	sshrl.u32 s19, $0x1F;
	v8 =	vnsel vm3, $0x0, v8;
	s21 =	sshra.s32 s2, $0x12;
	v7 =	vsel vm13, s20, v7  }
0xe0: {  	s0 =	sshrl.u32 s0, $0x1F;
	v8 =	vsel vm0, s22, v8;
	s22 =	sshra.s32 s2, $0x1F;
	v7 =	vsel vm4, s21, v7  }
0xe1: {  	v8 =	vsel vm1, s0, v8;
	s23 =	sshrl.u32 s1, $0x1F;
	s25 =	sshra.s32 s11, $0x12;
	v7 =	vsel vm14, s22, v7  }
0xe2: {  	v8 =	vsel vm2, s23, v8;
	s30 =	sshrl.u32 s2, $0x1F;
	s2 =	sshra.s32 s11, $0x1F;
	v7 =	vsel vm5, s25, v7  }
0xe3: {  	s3 =	sshrl.u32 s11, $0x1F;
	v8 =	vsel vm4, s30, v8;
	v7 =	vsel vm15, s2, v7  }
0xe4: {  	vm9 =	vcmask $0x3734;
	s6 =	sshra.s32 s28, $0x1F;
	s4 =	sshrl.u32 s28, $0x1F;
	v8 =	vsel vm5, s3, v8;
	v7 =	vsel vm6, s29, v7  }
0xe5: {  	s7 =	sshrl.u32 s15, $0x1F;
	v6 =	vperm.xlane v6, v0;
	s8 =	sshra.s32 s15, $0x12;
	v8 =	vsel vm6, s4, v8;
	v7 =	vsel vm9, s6, v7  }
0xe6: {  	v5 =	vperm.xlane v5, v0;
	v8 =	vsel vm7, s7, v8;
	v7 =	vsel vm7, s8, v7  }
0xe7: {  	v8 =	vperm.xlane v8, v2;
	v7 =	vperm.xlane v7, v2;
	_ =	sdelay $0x1  }
0xe8: {  	v5 =	vsel vm8, v8, v5;
	v6 =	vsel vm8, v7, v6  }
0xe9: {  	v5 =	vadd.s32 v5, v6  }
0xea: {  	v5 =	vmul.u32 $0xF423F, v5;
	_ =	sdelay $0x1  }
0xeb: {  	v4 =	vsub.s32 v4, v5  }
0xec: {  	s19 =	smov.u32 s26;
	vm9 =	vlt.s32 v4, $0x0;
	v5 =	vadd.s32 $0xF423F, v4  }
0xed: {  	s9 =	sshra.s32 s19, $0x2;
	v4 =	vsel vm9, v5, v4  }
0xee: {  	s14 =	smov.u32 s9;
	[tilespmem:s24+$0x300] =	vst v4  }
0xef: {  	v4 =	vld.idx.msk [tilespmem:v3+s14+$0x90 ss:$0x1], $0xffff  }
0xf0: {  	v5 =	vld.idx.msk [tilespmem:v3+s14+$0x8F ss:$0x1], $0xffff;
	_ =	sdelay $0x4  }
0xf1: {  	v4 =	vmul.u32 $0x8DD9, v4;
	v5 =	vmul.u32 $0x6A37, v5;
	_ =	sdelay $0x1  }
0xf2: {  	v4 =	vxor.u32 v4, v5  }
0xf3: {  	(v2sf) =	vpush v4, $0xE;
	_ =	sdelay $0x1  }
0xf4: {  	(v2sf) =	vpush v4, $0xC  }
0xf5: {  	(v2sf) =	vpush v4, $0xA  }
0xf6: {  	(v2sf) =	vpush v4, $0x2;
	_ =	sdelay $0x1  }
0xf7: {  	(v2sf) =	vpush v4, $0xD  }
0xf8: {  	(v2sf) =	vpush v4, $0x3  }
0xf9: {  	(v2sf) =	vpush v4, $0x0  }
0xfa: {  	(v2sf) =	vpush v4, $0x7  }
0xfb: {  	(v2sf) =	vpush v4, $0x6  }
0xfc: {  	(v2sf) =	vpush v4, $0x8;
	_ =	sdelay $0x1  }
0xfd: {  	(v2sf) =	vpush v4, $0xF  }
0xfe: {  	(v2sf) =	vpush v4, $0x9  }
0xff: {  	s10 =	spop (v2sf)  }
0x100: {  	s7 =	smulhi.u32 $0x431BE2E9, s10;
	s0 =	sshra.s32 s10, $0x1F  }
0x101: {  	s2 =	spop (v2sf);
	s9 =	smul.u32 $0x431BE2E9, s0  }
0x102: {  	s11 =	spop (v2sf);
	s5 =	sshra.s32 s2, $0x1F;
	s2 =	smulhi.u32 $0x431BE2E9, s2  }
0x103: {  	(v2sf) =	vpush v4, $0xB;
	s12 =	smulhi.u32 $0x431BE2E9, s11;
	s23 =	spop (v2sf)  }
0x104: {  	p0 =	sne.s32 s26, $0x1C0;
	s22 =	sshra.s32 s11, $0x1F;
	s30 =	smulhi.u32 $0x431BE2E9, s23  }
0x105: {  	s26 =	sadd.s32 $0x40, s26;
	s24 =	spop (v2sf);
	s15 =	smul.u32 $0x431BE2E9, s22  }
0x106: {  	(v2sf) =	vpush v4, $0x1;
	s0 =	sshra.s32 s23, $0x1F;
	s6 =	smulhi.u32 $0x431BE2E9, s24;
	s25 =	spop (v2sf)  }
0x107: {  	s8 =	sshra.s32 s24, $0x1F;
	s18 =	spop (v2sf);
	s31 =	smulhi.u32 $0x431BE2E9, s25  }
0x108: {  	s20 =	sshra.s32 s25, $0x1F;
	s1 =	smulhi.u32 $0x431BE2E9, s18;
	s19 =	spop (v2sf)  }
0x109: {  	s11 =	sadd.s32 s15, s12;
	s16 =	smulhi.u32 $0x431BE2E9, s19;
	s21 =	spop (v2sf)  }
0x10a: {  	s17 =	smulhi.u32 $0x431BE2E9, s21;
	s13 =	sshra.s32 s21, $0x1F;
	s22 =	spop (v2sf);
	(v2sf) =	vpush v4, $0x4  }
0x10b: {  	[dreg:$0x4] =	wrdreg s20;
	s15 =	sshra.s32 s18, $0x1F;
	s3 =	smul.u32 $0x431BE2E9, s13  }
0x10c: {  	s23 =	sshra.s32 s22, $0x1F;
	s24 =	smulhi.u32 $0x431BE2E9, s22;
	s25 =	spop (v2sf)  }
0x10d: {  	s20 =	sshra.s32 s19, $0x1F;
	s13 =	smul.u32 $0x431BE2E9, s23;
	s19 =	spop (v2sf)  }
0x10e: {  	s12 =	sshra.s32 s25, $0x1F;
	s22 =	sshra.s32 s19, $0x1F;
	s23 =	smulhi.u32 $0x431BE2E9, s19  }
0x10f: {  	s19 =	smulhi.u32 $0x431BE2E9, s25;
	s28 =	sadd.s32 s3, s17;
	s17 =	sadd.s32 s9, s7  }
0x110: {  	s4 =	sadd.s32 s13, s24;
	s13 =	smul.u32 $0x431BE2E9, s5;
	s29 =	sshra.s32 s28, $0x12  }
0x111: {  	s22 =	smul.u32 $0x431BE2E9, s22;
	s18 =	sshrl.u32 s17, $0x1F;
	s17 =	sshra.s32 s17, $0x12  }
0x112: {  	s25 =	sshrl.u32 s4, $0x1F;
	s5 =	sshra.s32 s4, $0x12;
	s21 =	spop (v2sf)  }
0x113: {  	s9 =	sadd.s32 s13, s2;
	s3 =	sadd.s32 s22, s23;
	s13 =	smul.u32 $0x431BE2E9, s8  }
0x114: {  	v5 =	vmov s25;
	s25 =	smov.u32 s30;
	v6 =	vmov s5;
	s5 =	smul.u32 $0x431BE2E9, s12;
	s30 =	sshra.s32 s11, $0x12  }
.Ltmp1:
0x115: {  	s24 =	sshra.s32 s21, $0x1F;
	s10 =	spop (v2sf);
	(pc) =	sbr.rel @p0 .LBB2_4-.Ltmp1, $4  }
0x116: {  	s21 =	smulhi.u32 $0x431BE2E9, s21;
	s22 =	sshrl.u32 s3, $0x1F;
	s2 =	sshra.s32 s3, $0x12  }
0x117: {  	s7 =	smulhi.u32 $0x431BE2E9, s10;
	s23 =	sshra.s32 s10, $0x1F;
	s8 =	sadd.s32 s13, s6  }
0x118: {  	v6 =	vsel vm0, s2, v6;
	s10 =	sshrl.u32 s9, $0x1F;
	s13 =	smul.u32 $0x431BE2E9, s24;
	s24 =	smov.u32 s14  }
0x119: {  	(v2sf) =	vpush v4, $0x5;
	v5 =	vsel vm0, s22, v5;
	v6 =	vsel vm1, s30, v6;
	s12 =	smul.u32 $0x431BE2E9, s23;
	s2 =	sshra.s32 s8, $0x12;
	s6 =	spop (v2sf)  }
0x11a: {  	_ =	sdelay $0x4  }
0x11b: {  	s3 =	smul.u32 $0x431BE2E9, s20  }
0x11c: {  	s15 =	smul.u32 $0x431BE2E9, s15;
	s20 =	sshrl.u32 s8, $0x1F;
	s9 =	sshra.s32 s9, $0x12  }
0x11d: {  	s13 =	sadd.s32 s13, s21;
	s5 =	sadd.s32 s5, s19;
	s8 =	sadd.s32 s3, s16  }
0x11e: {  	s0 =	smul.u32 $0x431BE2E9, s0;
	s14 =	sadd.s32 s15, s1;
	s16 =	sshra.s32 s8, $0x1F  }
0x11f: {  	s7 =	sadd.s32 s12, s7;
	s12 =	rddreg [dreg:$0x4];
	s21 =	sshra.s32 s14, $0x12;
	v7 =	vmov s16  }
0x120: {  	s15 =	sshra.s32 s5, $0x12;
	s1 =	smul.u32 $0x431BE2E9, s12;
	s22 =	sshra.s32 s14, $0x1F;
	v7 =	vsel vm3, s21, v7  }
0x121: {  	s23 =	sshra.s32 s7, $0x12;
	s0 =	sadd.s32 s0, s25;
	s26 =	sshra.s32 s7, $0x1F;
	v7 =	vsel vm10, s22, v7  }
0x122: {  	v8 =	vmov s9;
	s25 =	sshra.s32 s0, $0x1F;
	s16 =	sshra.s32 s13, $0x12;
	s1 =	sadd.s32 s1, s31;
	v7 =	vsel vm0, s23, v7  }
0x123: {  	v9 =	vmov s10;
	v8 =	vsel vm0, s2, v8;
	s21 =	sshra.s32 s0, $0x12;
	s22 =	smulhi.u32 $0x431BE2E9, s6;
	s23 =	sshra.s32 s6, $0x1F;
	v7 =	vsel vm11, s26, v7  }
0x124: {  	vm9 =	vcmask $0x3734;
	v8 =	vsel vm1, s17, v8;
	s10 =	sshra.s32 s1, $0x12;
	s6 =	smul.u32 $0x431BE2E9, s23;
	v7 =	vsel vm1, s21, v7;
	s4 =	spop (v2sf)  }
0x125: {  	v8 =	vsel vm2, s15, v8;
	v6 =	vsel vm2, s16, v6;
	s26 =	sshrl.u32 s14, $0x1F;
	v7 =	vsel vm12, s25, v7;
	s3 =	smulhi.u32 $0x431BE2E9, s4;
	s4 =	sshra.s32 s4, $0x1F  }
0x126: {  	s12 =	sshra.s32 s1, $0x1F;
	v6 =	vcombine.low v6, v8;
	v8 =	vmov s26;
	s6 =	sadd.s32 s6, s22;
	v7 =	vsel vm2, s10, v7;
	s4 =	smul.u32 $0x431BE2E9, s4  }
0x127: {  	v9 =	vsel vm0, s20, v9;
	s7 =	sshrl.u32 s7, $0x1F;
	s17 =	sshrl.u32 s5, $0x1F;
	v8 =	vnsel vm3, $0x0, v8;
	s15 =	sshra.s32 s6, $0x12;
	v7 =	vsel vm13, s12, v7  }
0x128: {  	v9 =	vsel vm1, s18, v9;
	s0 =	sshrl.u32 s0, $0x1F;
	v8 =	vsel vm0, s7, v8;
	s16 =	sshra.s32 s6, $0x1F;
	v7 =	vsel vm4, s15, v7;
	s3 =	sadd.s32 s4, s3  }
0x129: {  	v9 =	vsel vm2, s17, v9;
	s18 =	sshrl.u32 s1, $0x1F;
	s14 =	sshrl.u32 s11, $0x1F;
	v8 =	vsel vm1, s0, v8;
	v7 =	vsel vm14, s16, v7;
	s19 =	sshra.s32 s3, $0x12  }
0x12a: {  	s20 =	sshrl.u32 s13, $0x1F;
	v5 =	vsel vm1, s14, v5;
	s21 =	sshrl.u32 s6, $0x1F;
	v8 =	vsel vm2, s18, v8;
	s22 =	sshra.s32 s3, $0x1F;
	v7 =	vsel vm5, s19, v7  }
0x12b: {  	v5 =	vsel vm2, s20, v5;
	v8 =	vsel vm4, s21, v8;
	s23 =	sshrl.u32 s3, $0x1F;
	v7 =	vsel vm15, s22, v7  }
0x12c: {  	s26 =	sshra.s32 s28, $0x1F;
	s25 =	sshrl.u32 s28, $0x1F;
	v5 =	vcombine.low v5, v9;
	v8 =	vsel vm5, s23, v8;
	v7 =	vsel vm6, s29, v7  }
0x12d: {  	s2 =	sshra.s32 s8, $0x12;
	v6 =	vperm.xlane v6, v0;
	v8 =	vsel vm6, s25, v8;
	s29 =	sshrl.u32 s8, $0x1F;
	v7 =	vsel vm9, s26, v7  }
0x12e: {  	v5 =	vperm.xlane v5, v0;
	v8 =	vsel vm7, s29, v8;
	v7 =	vsel vm7, s2, v7  }
0x12f: {  	v8 =	vperm.xlane v8, v2;
	v7 =	vperm.xlane v7, v2;
	_ =	sdelay $0x1  }
0x130: {  	v5 =	vsel vm8, v8, v5;
	v6 =	vsel vm8, v7, v6  }
0x131: {  	v5 =	vadd.s32 v5, v6  }
0x132: {  	v5 =	vmul.u32 $0xF423F, v5;
	_ =	sdelay $0x1  }
0x133: {  	v4 =	vsub.s32 v4, v5  }
0x134: {  	vm9 =	vlt.s32 v4, $0x0;
	v5 =	vadd.s32 $0xF423F, v4  }
0x135: {  	s5 =	simm.s32 $0x300;
	s6 =	simm.s32 $0x4480;
	v4 =	vsel vm9, v5, v4  }
0x136: {  	s4 =	simm.s32 $0x80;
	s3 =	rddreg [dreg:$0x1];
	s25 =	simm.s32 $0x0;
	[tilespmem:s24+$0x300] =	vst v4  }
0x137: {  	[tilespmem:s6], [sflag:$0x1] =	stream.indirect.gather [hbm4b:s3+s4], $0x80, s5, s4, $0xb8;
	[tilespmem:$0x10480] =	vst v63  }
0x138: {  	v4 =	vld.idx.msk [tilespmem:v3+s25+$0x110 ss:$0x1], $0xffff  }
0x139: {  	v5 =	vld.idx.msk [tilespmem:v3+s25+$0x10F ss:$0x1], $0xffff;
	_ =	sdelay $0x4  }
0x13a: {  	v4 =	vmul.u32 $0x8DD9, v4;
	v5 =	vmul.u32 $0x6A37, v5;
	_ =	sdelay $0x1  }
0x13b: {  	v4 =	vxor.u32 v4, v5  }
0x13c: {  	(v2sf) =	vpush v4, $0xE;
	_ =	sdelay $0x3  }
0x13d: {  	(v2sf) =	vpush v4, $0xC  }
0x13e: {  	(v2sf) =	vpush v4, $0xA  }
0x13f: {  	(v2sf) =	vpush v4, $0x2  }
0x140: {  	(v2sf) =	vpush v4, $0xD  }
0x141: {  	(v2sf) =	vpush v4, $0x3  }
0x142: {  	(v2sf) =	vpush v4, $0x0  }
0x143: {  	(v2sf) =	vpush v4, $0x7  }
0x144: {  	(v2sf) =	vpush v4, $0x6  }
0x145: {  	(v2sf) =	vpush v4, $0x8  }
0x146: {  	(v2sf) =	vpush v4, $0xF  }
0x147: {  	(v2sf) =	vpush v4, $0x9  }
0x148: {  	s7 =	spop (v2sf);
	(v2sf) =	vpush v4, $0xB;
	_ =	sdelay $0x3  }
0x149: {  	s2 =	smulhi.u32 $0x431BE2E9, s7;
	s0 =	sshra.s32 s7, $0x1F;
	s3 =	spop (v2sf)  }
0x14a: {  	s4 =	smul.u32 $0x431BE2E9, s0;
	s8 =	spop (v2sf)  }
0x14b: {  	s12 =	sshra.s32 s3, $0x1F;
	s3 =	smulhi.u32 $0x431BE2E9, s3;
	s18 =	spop (v2sf)  }
0x14c: {  	s9 =	smulhi.u32 $0x431BE2E9, s8;
	s19 =	spop (v2sf)  }
0x14d: {  	s0 =	sshra.s32 s8, $0x1F;
	s30 =	smulhi.u32 $0x431BE2E9, s18;
	s20 =	spop (v2sf)  }
0x14e: {  	s21 =	smul.u32 $0x431BE2E9, s0;
	s10 =	spop (v2sf)  }
0x14f: {  	(v2sf) =	vpush v4, $0x1;
	s8 =	smulhi.u32 $0x431BE2E9, s19;
	s22 =	spop (v2sf)  }
0x150: {  	s0 =	sshra.s32 s18, $0x1F;
	s31 =	smulhi.u32 $0x431BE2E9, s20;
	s23 =	spop (v2sf)  }
0x151: {  	s11 =	sadd.s32 s21, s9;
	s14 =	smulhi.u32 $0x431BE2E9, s10;
	s29 =	spop (v2sf)  }
0x152: {  	s16 =	smulhi.u32 $0x431BE2E9, s22;
	s24 =	sshra.s32 s23, $0x1F;
	s21 =	spop (v2sf)  }
0x153: {  	(v2sf) =	vpush v4, $0x4;
	s6 =	sshra.s32 s19, $0x1F;
	s17 =	smul.u32 $0x431BE2E9, s24;
	s24 =	spop (v2sf)  }
0x154: {  	s18 =	sshra.s32 s29, $0x1F;
	s19 =	smulhi.u32 $0x431BE2E9, s29;
	s29 =	spop (v2sf);
	(v2sf) =	vpush v4, $0x5  }
0x155: {  	s13 =	smulhi.u32 $0x431BE2E9, s23  }
0x156: {  	s7 =	smul.u32 $0x431BE2E9, s18  }
0x157: {  	s26 =	simm.s32 $0x40;
	s2 =	sadd.s32 s4, s2;
	s18 =	smul.u32 $0x431BE2E9, s12  }
0x158: {  	s15 =	sshra.s32 s10, $0x1F;
	s10 =	sshra.s32 s21, $0x1F;
	s23 =	smulhi.u32 $0x431BE2E9, s24  }
0x159: {  	s1 =	sshra.s32 s20, $0x1F;
	s28 =	sadd.s32 s17, s13;
	s5 =	smul.u32 $0x431BE2E9, s10  }
0x15a: {  	s17 =	sshra.s32 s2, $0x12;
	s7 =	sadd.s32 s7, s19;
	s19 =	smulhi.u32 $0x431BE2E9, s21  }
0x15b: {  	s9 =	sadd.s32 s18, s3;
	s18 =	sshrl.u32 s2, $0x1F;
	s2 =	smul.u32 $0x431BE2E9, s6  }
0x15c: {  	s20 =	sshra.s32 s22, $0x1F;
	s22 =	sshra.s32 s24, $0x1F;
	s21 =	smulhi.u32 $0x431BE2E9, s29  }
0x15d: {  	s4 =	sshrl.u32 s7, $0x1F;
	s24 =	sshra.s32 s29, $0x1F;
	s29 =	smul.u32 $0x431BE2E9, s22  }
0x15e: {  	s10 =	sshrl.u32 s9, $0x1F;
	s8 =	sadd.s32 s2, s8;
	s12 =	spop (v2sf)  }
0x15f: {  	s2 =	sshra.s32 s8, $0x12;
	s13 =	sadd.s32 s29, s23;
	s23 =	sshra.s32 s7, $0x12  }
0x160: {  	s6 =	sshra.s32 s12, $0x1F;
	s7 =	smulhi.u32 $0x431BE2E9, s12;
	s3 =	sshra.s32 s13, $0x12;
	v5 =	vmov s23  }
0x161: {  	v6 =	vmov s4;
	s29 =	sshra.s32 s11, $0x12;
	s12 =	smul.u32 $0x431BE2E9, s6;
	s22 =	sshrl.u32 s13, $0x1F;
	v7 =	vsel vm0, s3, v5  }
0x162: {  	s6 =	spop (v2sf);
	s23 =	sshra.s32 s28, $0x12;
	s13 =	smul.u32 $0x431BE2E9, s24;
	v5 =	vsel vm0, s22, v6;
	v6 =	vsel vm1, s29, v7  }
.LBB2_6:
0x163: {  	s3 =	sshrl.u32 s8, $0x1F;
	s4 =	smul.u32 $0x431BE2E9, s20;
	s8 =	spop (v2sf)  }
0x164: {  	s9 =	sshra.s32 s9, $0x12;
	s20 =	smulhi.u32 $0x431BE2E9, s8;
	s8 =	sshra.s32 s8, $0x1F  }
0x165: {  	s13 =	sadd.s32 s13, s21;
	s21 =	smul.u32 $0x431BE2E9, s15;
	v7 =	vmov s9;
	s15 =	sadd.s32 s4, s16  }
0x166: {  	v8 =	vmov s10;
	s4 =	sadd.s32 s5, s19;
	s5 =	sshrl.u32 s11, $0x1F;
	v7 =	vsel vm0, s2, v7;
	s2 =	sshra.s32 s15, $0x1F  }
0x167: {  	v8 =	vsel vm0, s3, v8;
	s3 =	sshrl.u32 s4, $0x1F;
	v5 =	vsel vm1, s5, v5;
	v7 =	vsel vm1, s17, v7;
	s4 =	sshra.s32 s4, $0x12;
	s5 =	sshra.s32 s13, $0x12  }
0x168: {  	s9 =	sshrl.u32 s13, $0x1F;
	v8 =	vsel vm1, s18, v8;
	s10 =	sadd.s32 s21, s14;
	s8 =	smul.u32 $0x431BE2E9, s8;
	v6 =	vsel vm2, s5, v6;
	v9 =	vmov s2  }
0x169: {  	s0 =	smul.u32 $0x431BE2E9, s0;
	v8 =	vsel vm2, s3, v8;
	v5 =	vsel vm2, s9, v5;
	s2 =	sadd.s32 s12, s7;
	v7 =	vsel vm2, s4, v7;
	s3 =	sshra.s32 s10, $0x12  }
0x16a: {  	v5 =	vcombine.low v5, v8;
	s4 =	sshrl.u32 s2, $0x1F;
	v6 =	vcombine.low v6, v7;
	v7 =	vsel vm3, s3, v9;
	s3 =	sshra.s32 s10, $0x1F;
	s5 =	sshra.s32 s2, $0x12  }
0x16b: {  	s0 =	sadd.s32 s0, s30;
	s7 =	sshrl.u32 s10, $0x1F;
	s2 =	sshra.s32 s2, $0x1F;
	v7 =	vsel vm10, s3, v7  }
0x16c: {  	s1 =	smul.u32 $0x431BE2E9, s1;
	v8 =	vmov s7;
	s3 =	sadd.s32 s8, s20;
	v7 =	vsel vm0, s5, v7;
	s5 =	sshra.s32 s0, $0x12  }
0x16d: {  	p0 =	sne.s32 s26, $0x1C0;
	s7 =	smulhi.u32 $0x431BE2E9, s6;
	s6 =	sshra.s32 s6, $0x1F;
	v8 =	vnsel vm3, $0x0, v8;
	v7 =	vsel vm11, s2, v7  }
0x16e: {  	s1 =	sadd.s32 s1, s31;
	v8 =	vsel vm0, s4, v8;
	s4 =	sshra.s32 s0, $0x1F;
	s2 =	smul.u32 $0x431BE2E9, s6;
	v7 =	vsel vm1, s5, v7  }
0x16f: {  	s5 =	smov.u32 s26;
	s26 =	sadd.s32 $0x40, s26;
	v7 =	vsel vm12, s4, v7;
	s4 =	sshra.s32 s1, $0x12  }
0x170: {  	s2 =	sadd.s32 s2, s7;
	v7 =	vsel vm2, s4, v7;
	s4 =	sshra.s32 s1, $0x1F  }
0x171: {  	v7 =	vsel vm13, s4, v7;
	s4 =	sshra.s32 s2, $0x12  }
0x172: {  	s0 =	sshrl.u32 s0, $0x1F;
	v7 =	vsel vm4, s4, v7;
	s4 =	sshra.s32 s2, $0x1F  }
0x173: {  	v8 =	vsel vm1, s0, v8;
	s0 =	sshrl.u32 s1, $0x1F;
	s1 =	sshra.s32 s3, $0x12;
	v7 =	vsel vm14, s4, v7  }
0x174: {  	v8 =	vsel vm2, s0, v8;
	s0 =	sshrl.u32 s2, $0x1F;
	v7 =	vsel vm5, s1, v7;
	s1 =	sshra.s32 s3, $0x1F  }
0x175: {  	v8 =	vsel vm4, s0, v8;
	s0 =	sshrl.u32 s3, $0x1F;
	v7 =	vsel vm15, s1, v7  }
0x176: {  	vm9 =	vcmask $0x3734;
	v8 =	vsel vm5, s0, v8;
	s0 =	sshrl.u32 s28, $0x1F;
	s1 =	sshra.s32 s28, $0x1F;
	v7 =	vsel vm6, s23, v7  }
0x177: {  	v6 =	vperm.xlane v6, v0;
	v8 =	vsel vm6, s0, v8;
	s0 =	sshrl.u32 s15, $0x1F;
	v7 =	vsel vm9, s1, v7;
	s1 =	sshra.s32 s15, $0x12  }
0x178: {  	v5 =	vperm.xlane v5, v0;
	v8 =	vsel vm7, s0, v8;
	v7 =	vsel vm7, s1, v7  }
0x179: {  	v8 =	vperm.xlane v8, v2;
	v7 =	vperm.xlane v7, v2;
	_ =	sdelay $0x1  }
0x17a: {  	v5 =	vsel vm8, v8, v5;
	v6 =	vsel vm8, v7, v6  }
0x17b: {  	v5 =	vadd.s32 v5, v6  }
0x17c: {  	v5 =	vmul.u32 $0xF423F, v5  }
0x17d: {  	s0 =	sshra.s32 s5, $0x2  }
0x17e: {  	v4 =	vsub.s32 v4, v5  }
0x17f: {  	vm9 =	vlt.s32 v4, $0x0;
	v5 =	vadd.s32 $0xF423F, v4  }
0x180: {  	v4 =	vsel vm9, v5, v4  }
0x181: {  	s29 =	smov.u32 s0;
	[tilespmem:s25+$0x380] =	vst v4  }
0x182: {  	v4 =	vld.idx.msk [tilespmem:v3+s29+$0x110 ss:$0x1], $0xffff  }
0x183: {  	v5 =	vld.idx.msk [tilespmem:v3+s29+$0x10F ss:$0x1], $0xffff;
	_ =	sdelay $0x4  }
0x184: {  	v4 =	vmul.u32 $0x8DD9, v4  }
0x185: {  	v5 =	vmul.u32 $0x6A37, v5;
	_ =	sdelay $0x1  }
0x186: {  	v4 =	vxor.u32 v4, v5  }
0x187: {  	(v2sf) =	vpush v4, $0xE  }
0x188: {  	(v2sf) =	vpush v4, $0xC  }
0x189: {  	(v2sf) =	vpush v4, $0xA  }
0x18a: {  	(v2sf) =	vpush v4, $0x2  }
0x18b: {  	(v2sf) =	vpush v4, $0xD  }
0x18c: {  	(v2sf) =	vpush v4, $0x3  }
0x18d: {  	(v2sf) =	vpush v4, $0x0  }
0x18e: {  	(v2sf) =	vpush v4, $0x7  }
0x18f: {  	(v2sf) =	vpush v4, $0x6;
	_ =	sdelay $0x1  }
0x190: {  	(v2sf) =	vpush v4, $0x8;
	_ =	sdelay $0x1  }
0x191: {  	(v2sf) =	vpush v4, $0xF  }
0x192: {  	(v2sf) =	vpush v4, $0x9;
	_ =	sdelay $0x1  }
0x193: {  	s0 =	spop (v2sf)  }
0x194: {  	(v2sf) =	vpush v4, $0xB;
	s7 =	smulhi.u32 $0x431BE2E9, s0;
	s0 =	sshra.s32 s0, $0x1F  }
0x195: {  	s2 =	spop (v2sf);
	(v2sf) =	vpush v4, $0x1;
	s9 =	smul.u32 $0x431BE2E9, s0  }
0x196: {  	s0 =	spop (v2sf);
	s5 =	sshra.s32 s2, $0x1F;
	s2 =	smulhi.u32 $0x431BE2E9, s2  }
0x197: {  	s3 =	smulhi.u32 $0x431BE2E9, s0;
	s1 =	sshra.s32 s0, $0x1F;
	s0 =	spop (v2sf)  }
0x198: {  	s30 =	smulhi.u32 $0x431BE2E9, s0;
	s0 =	sshra.s32 s0, $0x1F;
	s4 =	spop (v2sf)  }
0x199: {  	s6 =	smulhi.u32 $0x431BE2E9, s4;
	s8 =	sshra.s32 s4, $0x1F;
	s4 =	spop (v2sf)  }
0x19a: {  	s10 =	smul.u32 $0x431BE2E9, s1;
	s12 =	spop (v2sf)  }
0x19b: {  	s14 =	smulhi.u32 $0x431BE2E9, s12;
	s11 =	spop (v2sf)  }
0x19c: {  	s1 =	sshra.s32 s4, $0x1F;
	s16 =	smulhi.u32 $0x431BE2E9, s11;
	s13 =	spop (v2sf)  }
0x19d: {  	s20 =	sshra.s32 s11, $0x1F;
	s17 =	smulhi.u32 $0x431BE2E9, s13;
	s13 =	sshra.s32 s13, $0x1F  }
0x19e: {  	s11 =	sadd.s32 s10, s3;
	s3 =	smul.u32 $0x431BE2E9, s13;
	s10 =	spop (v2sf);
	(v2sf) =	vpush v4, $0x4  }
0x19f: {  	s31 =	smulhi.u32 $0x431BE2E9, s4;
	s15 =	sshra.s32 s12, $0x1F;
	s13 =	sshra.s32 s10, $0x1F;
	(v2sf) =	vpush v4, $0x5  }
0x1a0: {  	s4 =	smulhi.u32 $0x431BE2E9, s10;
	s10 =	spop (v2sf)  }
0x1a1: {  	s13 =	smul.u32 $0x431BE2E9, s13;
	s12 =	sshra.s32 s10, $0x1F;
	s18 =	spop (v2sf)  }
0x1a2: {  	s28 =	sadd.s32 s3, s17;
	s3 =	smul.u32 $0x431BE2E9, s5;
	s22 =	sshra.s32 s18, $0x1F  }
0x1a3: {  	s23 =	smulhi.u32 $0x431BE2E9, s18;
	s4 =	sadd.s32 s13, s4;
	s13 =	spop (v2sf)  }
0x1a4: {  	s19 =	smulhi.u32 $0x431BE2E9, s10;
	s24 =	sshra.s32 s13, $0x1F;
	s10 =	spop (v2sf)  }
0x1a5: {  	s25 =	sshrl.u32 s4, $0x1F;
	s21 =	smulhi.u32 $0x431BE2E9, s13  }
0x1a6: {  	s5 =	sadd.s32 s9, s7;
	s7 =	smul.u32 $0x431BE2E9, s22;
	s13 =	sshra.s32 s28, $0x12  }
0x1a7: {  	s17 =	sshra.s32 s5, $0x12;
	s9 =	sadd.s32 s3, s2;
	s18 =	sshrl.u32 s5, $0x1F  }
0x1a8: {  	s3 =	sshra.s32 s4, $0x12;
	s2 =	sadd.s32 s7, s23;
	s7 =	smulhi.u32 $0x431BE2E9, s10  }
.Ltmp2:
0x1a9: {  	v5 =	vmov s25;
	s25 =	smov.u32 s29;
	s23 =	smov.u32 s13;
	(pc) =	sbr.rel @p0 .LBB2_6-.Ltmp2, $4  }
0x1aa: {  	s4 =	smul.u32 $0x431BE2E9, s8;
	v6 =	vmov s3;
	s8 =	sshrl.u32 s2, $0x1F;
	s2 =	sshra.s32 s2, $0x12  }
0x1ab: {  	s5 =	smul.u32 $0x431BE2E9, s12;
	s3 =	sshra.s32 s10, $0x1F;
	v5 =	vsel vm0, s8, v5;
	v6 =	vsel vm0, s2, v6;
	s2 =	sshra.s32 s11, $0x12  }
0x1ac: {  	s10 =	sshrl.u32 s9, $0x1F;
	s13 =	smul.u32 $0x431BE2E9, s24;
	s8 =	sadd.s32 s4, s6;
	v6 =	vsel vm1, s2, v6  }
0x1ad: {  	s12 =	smul.u32 $0x431BE2E9, s3;
	s2 =	sshra.s32 s8, $0x12;
	s6 =	spop (v2sf)  }
0x1ae: {  	s3 =	smul.u32 $0x431BE2E9, s20  }
0x1af: {  	s4 =	spop (v2sf);
	s15 =	smul.u32 $0x431BE2E9, s15  }
0x1b0: {  	s20 =	sshrl.u32 s8, $0x1F;
	s13 =	sadd.s32 s13, s21;
	s8 =	sadd.s32 s3, s16  }
0x1b1: {  	s0 =	smul.u32 $0x431BE2E9, s0;
	s14 =	sadd.s32 s15, s14;
	s16 =	sshra.s32 s8, $0x1F  }
0x1b2: {  	s5 =	sadd.s32 s5, s19;
	s1 =	smul.u32 $0x431BE2E9, s1;
	s21 =	sshra.s32 s14, $0x12;
	v7 =	vmov s16  }
0x1b3: {  	s19 =	smulhi.u32 $0x431BE2E9, s6;
	s7 =	sadd.s32 s12, s7;
	s22 =	sshra.s32 s14, $0x1F;
	v7 =	vsel vm3, s21, v7  }
0x1b4: {  	s9 =	sshra.s32 s9, $0x12;
	s3 =	smulhi.u32 $0x431BE2E9, s4;
	s24 =	sshra.s32 s7, $0x12;
	v7 =	vsel vm10, s22, v7  }
0x1b5: {  	v8 =	vmov s9;
	s15 =	sshra.s32 s5, $0x12;
	s0 =	sadd.s32 s0, s30;
	s26 =	sshra.s32 s7, $0x1F;
	v7 =	vsel vm0, s24, v7  }
0x1b6: {  	v9 =	vmov s10;
	v8 =	vsel vm0, s2, v8;
	s1 =	sadd.s32 s1, s31;
	s12 =	sshra.s32 s0, $0x12;
	s21 =	sshra.s32 s6, $0x1F;
	v7 =	vsel vm11, s26, v7  }
0x1b7: {  	vm9 =	vcmask $0x3734;
	v8 =	vsel vm1, s17, v8;
	s16 =	sshra.s32 s13, $0x12;
	s6 =	smul.u32 $0x431BE2E9, s21;
	s22 =	sshra.s32 s0, $0x1F;
	v7 =	vsel vm1, s12, v7  }
0x1b8: {  	s4 =	sshra.s32 s4, $0x1F;
	v8 =	vsel vm2, s15, v8;
	v6 =	vsel vm2, s16, v6;
	s24 =	sshrl.u32 s14, $0x1F;
	s26 =	sshra.s32 s1, $0x12;
	v7 =	vsel vm12, s22, v7  }
0x1b9: {  	s4 =	smul.u32 $0x431BE2E9, s4;
	s10 =	sshra.s32 s1, $0x1F;
	v6 =	vcombine.low v6, v8;
	v8 =	vmov s24;
	s6 =	sadd.s32 s6, s19;
	v7 =	vsel vm2, s26, v7  }
0x1ba: {  	s11 =	sshrl.u32 s11, $0x1F;
	v9 =	vsel vm0, s20, v9;
	s7 =	sshrl.u32 s7, $0x1F;
	v8 =	vnsel vm3, $0x0, v8;
	s12 =	sshra.s32 s6, $0x12;
	v7 =	vsel vm13, s10, v7  }
0x1bb: {  	v5 =	vsel vm1, s11, v5;
	s3 =	sadd.s32 s4, s3;
	s0 =	sshrl.u32 s0, $0x1F;
	s14 =	sshra.s32 s6, $0x1F;
	v8 =	vsel vm0, s7, v8;
	v7 =	vsel vm4, s12, v7  }
0x1bc: {  	v9 =	vsel vm1, s18, v9;
	s18 =	sshrl.u32 s13, $0x1F;
	s16 =	sshrl.u32 s1, $0x1F;
	s17 =	sshra.s32 s3, $0x12;
	v8 =	vsel vm1, s0, v8;
	v7 =	vsel vm14, s14, v7  }
0x1bd: {  	v5 =	vsel vm2, s18, v5;
	s15 =	sshrl.u32 s5, $0x1F;
	s20 =	sshra.s32 s3, $0x1F;
	s19 =	sshrl.u32 s6, $0x1F;
	v8 =	vsel vm2, s16, v8;
	v7 =	vsel vm5, s17, v7  }
0x1be: {  	v9 =	vsel vm2, s15, v9;
	s21 =	sshrl.u32 s3, $0x1F;
	v8 =	vsel vm4, s19, v8;
	v7 =	vsel vm15, s20, v7  }
0x1bf: {  	v5 =	vcombine.low v5, v9;
	s24 =	sshra.s32 s28, $0x1F;
	s22 =	sshrl.u32 s28, $0x1F;
	v8 =	vsel vm5, s21, v8;
	v7 =	vsel vm6, s23, v7  }
0x1c0: {  	s2 =	sshra.s32 s8, $0x12;
	v6 =	vperm.xlane v6, v0;
	s26 =	sshrl.u32 s8, $0x1F;
	v8 =	vsel vm6, s22, v8;
	v7 =	vsel vm9, s24, v7  }
0x1c1: {  	v5 =	vperm.xlane v5, v0;
	v8 =	vsel vm7, s26, v8;
	v7 =	vsel vm7, s2, v7  }
0x1c2: {  	v8 =	vperm.xlane v8, v2;
	v7 =	vperm.xlane v7, v2;
	_ =	sdelay $0x1  }
0x1c3: {  	v5 =	vsel vm8, v8, v5;
	v6 =	vsel vm8, v7, v6  }
0x1c4: {  	v5 =	vadd.s32 v5, v6  }
0x1c5: {  	v5 =	vmul.u32 $0xF423F, v5;
	_ =	sdelay $0x1  }
0x1c6: {  	v4 =	vsub.s32 v4, v5  }
0x1c7: {  	vm9 =	vlt.s32 v4, $0x0;
	v5 =	vadd.s32 $0xF423F, v4  }
0x1c8: {  	s29 =	simm.s32 $0x0;
	s5 =	simm.s32 $0x380;
	v4 =	vsel vm9, v5, v4  }
0x1c9: {  	s4 =	simm.s32 $0x80;
	s3 =	rddreg [dreg:$0x1];
	s6 =	simm.s32 $0x8480;
	[tilespmem:s25+$0x380] =	vst v4  }
0x1ca: {  	[tilespmem:s6], [sflag:$0x1] =	stream.indirect.gather [hbm4b:s3+s4], $0x80, s5, s4, $0xb8;
	[tilespmem:$0x10480] =	vst v63  }
0x1cb: {  	v4 =	vld.idx.msk [tilespmem:v3+s29+$0x190 ss:$0x1], $0xffff  }
0x1cc: {  	v5 =	vld.idx.msk [tilespmem:v3+s29+$0x18F ss:$0x1], $0xffff;
	_ =	sdelay $0x4  }
0x1cd: {  	v4 =	vmul.u32 $0x8DD9, v4;
	v5 =	vmul.u32 $0x6A37, v5;
	_ =	sdelay $0x1  }
0x1ce: {  	v4 =	vxor.u32 v4, v5  }
0x1cf: {  	(v2sf) =	vpush v4, $0xE;
	_ =	sdelay $0x3  }
0x1d0: {  	(v2sf) =	vpush v4, $0xC  }
0x1d1: {  	(v2sf) =	vpush v4, $0xA  }
0x1d2: {  	(v2sf) =	vpush v4, $0x2  }
0x1d3: {  	(v2sf) =	vpush v4, $0xD  }
0x1d4: {  	(v2sf) =	vpush v4, $0x3  }
0x1d5: {  	(v2sf) =	vpush v4, $0x0  }
0x1d6: {  	(v2sf) =	vpush v4, $0x7  }
0x1d7: {  	(v2sf) =	vpush v4, $0x6  }
0x1d8: {  	(v2sf) =	vpush v4, $0x8  }
0x1d9: {  	(v2sf) =	vpush v4, $0xF  }
0x1da: {  	(v2sf) =	vpush v4, $0x9  }
0x1db: {  	s7 =	spop (v2sf);
	(v2sf) =	vpush v4, $0xB;
	_ =	sdelay $0x3  }
0x1dc: {  	s2 =	smulhi.u32 $0x431BE2E9, s7;
	s0 =	sshra.s32 s7, $0x1F;
	s3 =	spop (v2sf)  }
0x1dd: {  	s4 =	smul.u32 $0x431BE2E9, s0;
	s8 =	spop (v2sf)  }
0x1de: {  	s6 =	sshra.s32 s3, $0x1F;
	s3 =	smulhi.u32 $0x431BE2E9, s3;
	s13 =	spop (v2sf)  }
0x1df: {  	s9 =	smulhi.u32 $0x431BE2E9, s8;
	s14 =	spop (v2sf)  }
0x1e0: {  	s0 =	sshra.s32 s8, $0x1F;
	s30 =	smulhi.u32 $0x431BE2E9, s13;
	s15 =	spop (v2sf)  }
0x1e1: {  	s18 =	smul.u32 $0x431BE2E9, s0;
	s10 =	spop (v2sf)  }
0x1e2: {  	s0 =	sshra.s32 s13, $0x1F;
	s7 =	smulhi.u32 $0x431BE2E9, s14;
	s19 =	spop (v2sf)  }
0x1e3: {  	(v2sf) =	vpush v4, $0x1;
	s13 =	sshra.s32 s14, $0x1F;
	s1 =	smulhi.u32 $0x431BE2E9, s15;
	s21 =	spop (v2sf)  }
0x1e4: {  	s14 =	sadd.s32 s18, s9;
	s11 =	smulhi.u32 $0x431BE2E9, s10;
	s23 =	spop (v2sf)  }
0x1e5: {  	s16 =	smulhi.u32 $0x431BE2E9, s19;
	s22 =	sshra.s32 s21, $0x1F;
	s18 =	spop (v2sf)  }
0x1e6: {  	(v2sf) =	vpush v4, $0x4;
	s20 =	smul.u32 $0x431BE2E9, s22;
	s22 =	spop (v2sf)  }
0x1e7: {  	s24 =	sshra.s32 s23, $0x1F;
	s25 =	smulhi.u32 $0x431BE2E9, s23;
	s23 =	spop (v2sf);
	(v2sf) =	vpush v4, $0x5  }
0x1e8: {  	s17 =	smulhi.u32 $0x431BE2E9, s21  }
0x1e9: {  	s31 =	sshra.s32 s15, $0x1F;
	s15 =	sshra.s32 s19, $0x1F;
	s8 =	smul.u32 $0x431BE2E9, s24  }
0x1ea: {  	s19 =	sshra.s32 s10, $0x1F;
	s10 =	sshra.s32 s18, $0x1F;
	s18 =	smulhi.u32 $0x431BE2E9, s18  }
0x1eb: {  	s2 =	sadd.s32 s4, s2;
	s24 =	smul.u32 $0x431BE2E9, s6  }
0x1ec: {  	s21 =	sshra.s32 s22, $0x1F;
	s22 =	smulhi.u32 $0x431BE2E9, s22;
	s28 =	sadd.s32 s20, s17  }
0x1ed: {  	s20 =	sshrl.u32 s2, $0x1F;
	s17 =	sshra.s32 s2, $0x12;
	s2 =	smul.u32 $0x431BE2E9, s13  }
0x1ee: {  	s26 =	simm.s32 $0x40;
	s21 =	smul.u32 $0x431BE2E9, s21  }
0x1ef: {  	s8 =	sadd.s32 s8, s25;
	s9 =	sadd.s32 s24, s3;
	s24 =	sshra.s32 s14, $0x12  }
0x1f0: {  	s4 =	sshrl.u32 s8, $0x1F;
	s5 =	sshrl.u32 s9, $0x1F;
	s13 =	sadd.s32 s21, s22  }
0x1f1: {  	s22 =	sshra.s32 s8, $0x12;
	s21 =	smul.u32 $0x431BE2E9, s10;
	s12 =	sshra.s32 s23, $0x1F  }
0x1f2: {  	s25 =	spop (v2sf);
	s6 =	smulhi.u32 $0x431BE2E9, s23;
	s10 =	sshrl.u32 s13, $0x1F  }
0x1f3: {  	s3 =	sshra.s32 s13, $0x12;
	v5 =	vmov s22;
	s13 =	sadd.s32 s2, s7;
	s8 =	smulhi.u32 $0x431BE2E9, s25  }
0x1f4: {  	v6 =	vmov s4;
	s22 =	sshra.s32 s25, $0x1F;
	s25 =	sshra.s32 s28, $0x12;
	v5 =	vsel vm0, s3, v5;
	s2 =	smul.u32 $0x431BE2E9, s12  }
0x1f5: {  	v6 =	vsel vm0, s10, v6;
	s10 =	sshra.s32 s13, $0x12;
	s7 =	spop (v2sf);
	v5 =	vsel vm1, s24, v5;
	s12 =	smul.u32 $0x431BE2E9, s22  }
.LBB2_8:
0x1f6: {  	s3 =	sshrl.u32 s13, $0x1F;
	s4 =	smul.u32 $0x431BE2E9, s15;
	s13 =	spop (v2sf)  }
0x1f7: {  	s9 =	sshra.s32 s9, $0x12;
	s22 =	smulhi.u32 $0x431BE2E9, s13;
	s13 =	sshra.s32 s13, $0x1F  }
0x1f8: {  	s2 =	sadd.s32 s2, s6;
	s6 =	smul.u32 $0x431BE2E9, s19;
	v7 =	vmov s9;
	s15 =	sadd.s32 s4, s16  }
0x1f9: {  	v8 =	vmov s5;
	s5 =	sshrl.u32 s14, $0x1F;
	s4 =	sadd.s32 s21, s18;
	v7 =	vsel vm0, s10, v7;
	s9 =	sshra.s32 s15, $0x1F  }
0x1fa: {  	v8 =	vsel vm0, s3, v8;
	v6 =	vsel vm1, s5, v6;
	s5 =	sshra.s32 s2, $0x12;
	s3 =	sshrl.u32 s4, $0x1F;
	v7 =	vsel vm1, s17, v7;
	s4 =	sshra.s32 s4, $0x12  }
0x1fb: {  	s2 =	sshrl.u32 s2, $0x1F;
	v8 =	vsel vm1, s20, v8;
	s6 =	sadd.s32 s6, s11;
	s10 =	smul.u32 $0x431BE2E9, s13;
	v5 =	vsel vm2, s5, v5;
	v9 =	vmov s9  }
0x1fc: {  	s0 =	smul.u32 $0x431BE2E9, s0;
	v6 =	vsel vm2, s2, v6;
	s2 =	sadd.s32 s12, s8;
	v8 =	vsel vm2, s3, v8;
	v7 =	vsel vm2, s4, v7;
	s3 =	sshra.s32 s6, $0x12  }
0x1fd: {  	s5 =	sshra.s32 s2, $0x12;
	s4 =	sshrl.u32 s2, $0x1F;
	v6 =	vcombine.low v6, v8;
	v5 =	vcombine.low v5, v7;
	v7 =	vsel vm3, s3, v9;
	s3 =	sshra.s32 s6, $0x1F  }
0x1fe: {  	s0 =	sadd.s32 s0, s30;
	s2 =	sshra.s32 s2, $0x1F;
	s6 =	sshrl.u32 s6, $0x1F;
	v7 =	vsel vm10, s3, v7  }
0x1ff: {  	v8 =	vmov s6;
	s3 =	smul.u32 $0x431BE2E9, s31;
	s6 =	sadd.s32 s10, s22;
	v7 =	vsel vm0, s5, v7;
	s5 =	sshra.s32 s0, $0x12  }
0x200: {  	p0 =	sne.s32 s26, $0x1C0;
	s8 =	smulhi.u32 $0x431BE2E9, s7;
	s7 =	sshra.s32 s7, $0x1F;
	v8 =	vnsel vm3, $0x0, v8;
	v7 =	vsel vm11, s2, v7  }
0x201: {  	v8 =	vsel vm0, s4, v8;
	s1 =	sadd.s32 s3, s1;
	s2 =	smul.u32 $0x431BE2E9, s7;
	s3 =	sshra.s32 s0, $0x1F;
	v7 =	vsel vm1, s5, v7  }
0x202: {  	s4 =	smov.u32 s26;
	s26 =	sadd.s32 $0x40, s26;
	v7 =	vsel vm12, s3, v7;
	s3 =	sshra.s32 s1, $0x12  }
0x203: {  	s2 =	sadd.s32 s2, s8;
	v7 =	vsel vm2, s3, v7;
	s3 =	sshra.s32 s1, $0x1F  }
0x204: {  	v7 =	vsel vm13, s3, v7;
	s3 =	sshra.s32 s2, $0x12  }
0x205: {  	s0 =	sshrl.u32 s0, $0x1F;
	v7 =	vsel vm4, s3, v7;
	s3 =	sshra.s32 s2, $0x1F  }
0x206: {  	v8 =	vsel vm1, s0, v8;
	s0 =	sshrl.u32 s1, $0x1F;
	s1 =	sshra.s32 s6, $0x12;
	v7 =	vsel vm14, s3, v7  }
0x207: {  	v8 =	vsel vm2, s0, v8;
	s0 =	sshrl.u32 s2, $0x1F;
	v7 =	vsel vm5, s1, v7;
	s1 =	sshra.s32 s6, $0x1F  }
0x208: {  	v8 =	vsel vm4, s0, v8;
	s0 =	sshrl.u32 s6, $0x1F;
	v7 =	vsel vm15, s1, v7  }
0x209: {  	vm9 =	vcmask $0x3734;
	v8 =	vsel vm5, s0, v8;
	s0 =	sshrl.u32 s28, $0x1F;
	s1 =	sshra.s32 s28, $0x1F;
	v7 =	vsel vm6, s25, v7  }
0x20a: {  	v5 =	vperm.xlane v5, v0;
	v8 =	vsel vm6, s0, v8;
	s0 =	sshrl.u32 s15, $0x1F;
	v7 =	vsel vm9, s1, v7;
	s1 =	sshra.s32 s15, $0x12  }
0x20b: {  	v6 =	vperm.xlane v6, v0;
	v8 =	vsel vm7, s0, v8;
	v7 =	vsel vm7, s1, v7  }
0x20c: {  	v8 =	vperm.xlane v8, v2;
	v7 =	vperm.xlane v7, v2;
	_ =	sdelay $0x1  }
0x20d: {  	v6 =	vsel vm8, v8, v6;
	v5 =	vsel vm8, v7, v5  }
0x20e: {  	v5 =	vadd.s32 v6, v5  }
0x20f: {  	v5 =	vmul.u32 $0xF423F, v5  }
0x210: {  	s0 =	sshra.s32 s4, $0x2  }
0x211: {  	v4 =	vsub.s32 v4, v5  }
0x212: {  	vm9 =	vlt.s32 v4, $0x0;
	v5 =	vadd.s32 $0xF423F, v4  }
0x213: {  	v4 =	vsel vm9, v5, v4  }
0x214: {  	[tilespmem:s29+$0x400] =	vst v4;
	s29 =	smov.u32 s0  }
0x215: {  	v4 =	vld.idx.msk [tilespmem:v3+s29+$0x190 ss:$0x1], $0xffff  }
0x216: {  	v5 =	vld.idx.msk [tilespmem:v3+s29+$0x18F ss:$0x1], $0xffff;
	_ =	sdelay $0x4  }
0x217: {  	v4 =	vmul.u32 $0x8DD9, v4  }
0x218: {  	v5 =	vmul.u32 $0x6A37, v5;
	_ =	sdelay $0x1  }
0x219: {  	v4 =	vxor.u32 v4, v5  }
0x21a: {  	(v2sf) =	vpush v4, $0xE  }
0x21b: {  	(v2sf) =	vpush v4, $0xC  }
0x21c: {  	(v2sf) =	vpush v4, $0xA  }
0x21d: {  	(v2sf) =	vpush v4, $0x2  }
0x21e: {  	(v2sf) =	vpush v4, $0xD  }
0x21f: {  	(v2sf) =	vpush v4, $0x3  }
0x220: {  	(v2sf) =	vpush v4, $0x0  }
0x221: {  	(v2sf) =	vpush v4, $0x7  }
0x222: {  	(v2sf) =	vpush v4, $0x6;
	_ =	sdelay $0x1  }
0x223: {  	(v2sf) =	vpush v4, $0x8;
	_ =	sdelay $0x1  }
0x224: {  	(v2sf) =	vpush v4, $0xF  }
0x225: {  	(v2sf) =	vpush v4, $0x9;
	_ =	sdelay $0x1  }
0x226: {  	s0 =	spop (v2sf)  }
0x227: {  	(v2sf) =	vpush v4, $0xB;
	s8 =	smulhi.u32 $0x431BE2E9, s0;
	s0 =	sshra.s32 s0, $0x1F  }
0x228: {  	s2 =	spop (v2sf);
	(v2sf) =	vpush v4, $0x1;
	s9 =	smul.u32 $0x431BE2E9, s0  }
0x229: {  	s0 =	spop (v2sf);
	s5 =	sshra.s32 s2, $0x1F;
	s2 =	smulhi.u32 $0x431BE2E9, s2  }
0x22a: {  	s1 =	smulhi.u32 $0x431BE2E9, s0;
	s3 =	sshra.s32 s0, $0x1F;
	s0 =	spop (v2sf)  }
0x22b: {  	s30 =	smulhi.u32 $0x431BE2E9, s0;
	s0 =	sshra.s32 s0, $0x1F;
	s4 =	spop (v2sf)  }
0x22c: {  	s7 =	smulhi.u32 $0x431BE2E9, s4;
	s21 =	sshra.s32 s4, $0x1F;
	s4 =	spop (v2sf)  }
0x22d: {  	s3 =	smul.u32 $0x431BE2E9, s3;
	s6 =	spop (v2sf)  }
0x22e: {  	s11 =	smulhi.u32 $0x431BE2E9, s6;
	s10 =	spop (v2sf)  }
0x22f: {  	s31 =	sshra.s32 s4, $0x1F;
	s16 =	smulhi.u32 $0x431BE2E9, s10;
	s12 =	spop (v2sf)  }
0x230: {  	s15 =	sshra.s32 s10, $0x1F;
	s13 =	smulhi.u32 $0x431BE2E9, s12;
	s12 =	sshra.s32 s12, $0x1F  }
0x231: {  	s14 =	sadd.s32 s3, s1;
	s3 =	smul.u32 $0x431BE2E9, s12;
	s10 =	spop (v2sf);
	(v2sf) =	vpush v4, $0x4  }
0x232: {  	s1 =	smulhi.u32 $0x431BE2E9, s4;
	s19 =	sshra.s32 s6, $0x1F;
	s12 =	sshra.s32 s10, $0x1F;
	(v2sf) =	vpush v4, $0x5  }
0x233: {  	s4 =	smulhi.u32 $0x431BE2E9, s10;
	s6 =	spop (v2sf)  }
0x234: {  	s12 =	smul.u32 $0x431BE2E9, s12;
	s10 =	sshra.s32 s6, $0x1F;
	s17 =	spop (v2sf)  }
0x235: {  	s28 =	sadd.s32 s3, s13;
	s3 =	smul.u32 $0x431BE2E9, s5;
	s20 =	sshra.s32 s17, $0x1F  }
0x236: {  	s22 =	smulhi.u32 $0x431BE2E9, s17;
	s4 =	sadd.s32 s12, s4;
	s12 =	spop (v2sf)  }
0x237: {  	s18 =	smulhi.u32 $0x431BE2E9, s6;
	s23 =	sshra.s32 s12, $0x1F;
	s24 =	spop (v2sf)  }
0x238: {  	s25 =	sshrl.u32 s4, $0x1F;
	s6 =	smulhi.u32 $0x431BE2E9, s12  }
0x239: {  	s5 =	sadd.s32 s9, s8;
	s8 =	smul.u32 $0x431BE2E9, s20;
	s12 =	sshra.s32 s28, $0x12  }
0x23a: {  	s9 =	sadd.s32 s3, s2;
	s17 =	sshra.s32 s5, $0x12  }
0x23b: {  	s20 =	sshrl.u32 s5, $0x1F;
	s2 =	sadd.s32 s8, s22;
	s8 =	smulhi.u32 $0x431BE2E9, s24  }
.Ltmp3:
0x23c: {  	s3 =	sshra.s32 s4, $0x12;
	v5 =	vmov s25;
	s25 =	smov.u32 s12;
	(pc) =	sbr.rel @p0 .LBB2_8-.Ltmp3, $4  }
0x23d: {  	s4 =	smul.u32 $0x431BE2E9, s21;
	v7 =	vmov s3;
	s5 =	sshrl.u32 s2, $0x1F;
	s2 =	sshra.s32 s2, $0x12  }
0x23e: {  	s21 =	smul.u32 $0x431BE2E9, s10;
	s10 =	sshra.s32 s14, $0x12;
	s3 =	sshra.s32 s24, $0x1F;
	v6 =	vsel vm0, s5, v5;
	v5 =	vsel vm0, s2, v7  }
0x23f: {  	s13 =	sadd.s32 s4, s7;
	s5 =	sshrl.u32 s9, $0x1F;
	s2 =	smul.u32 $0x431BE2E9, s23;
	v5 =	vsel vm1, s10, v5  }
0x240: {  	s12 =	smul.u32 $0x431BE2E9, s3;
	s10 =	sshra.s32 s13, $0x12;
	s7 =	spop (v2sf)  }
0x241: {  	s3 =	smul.u32 $0x431BE2E9, s15  }
0x242: {  	s4 =	smul.u32 $0x431BE2E9, s19;
	s13 =	sshrl.u32 s13, $0x1F;
	s23 =	spop (v2sf)  }
0x243: {  	s0 =	smul.u32 $0x431BE2E9, s0;
	s9 =	sshra.s32 s9, $0x12;
	s15 =	sadd.s32 s3, s16  }
0x244: {  	s22 =	smul.u32 $0x431BE2E9, s31;
	s4 =	sadd.s32 s4, s11;
	s24 =	sshra.s32 s15, $0x1F  }
0x245: {  	s2 =	sadd.s32 s2, s6;
	s31 =	sshrl.u32 s14, $0x1F;
	s26 =	sshra.s32 s4, $0x12;
	v7 =	vmov s24  }
0x246: {  	s8 =	sadd.s32 s12, s8;
	s11 =	smulhi.u32 $0x431BE2E9, s23;
	s16 =	sshra.s32 s4, $0x1F;
	v7 =	vsel vm3, s26, v7  }
0x247: {  	s3 =	sshra.s32 s23, $0x1F;
	s0 =	sadd.s32 s0, s30;
	s19 =	sshra.s32 s8, $0x12;
	v7 =	vsel vm10, s16, v7  }
0x248: {  	v9 =	vmov s5;
	s23 =	sshra.s32 s8, $0x1F;
	s1 =	sadd.s32 s22, s1;
	s3 =	smul.u32 $0x431BE2E9, s3;
	v7 =	vsel vm0, s19, v7  }
0x249: {  	vm9 =	vcmask $0x3734;
	v8 =	vmov s9;
	s30 =	sshra.s32 s7, $0x1F;
	s24 =	sshra.s32 s0, $0x12;
	s26 =	smulhi.u32 $0x431BE2E9, s7;
	v7 =	vsel vm11, s23, v7  }
0x24a: {  	v9 =	vsel vm0, s13, v9;
	v6 =	vsel vm1, s31, v6;
	s14 =	sshra.s32 s0, $0x1F;
	s4 =	sshrl.u32 s4, $0x1F;
	s7 =	smul.u32 $0x431BE2E9, s30;
	v7 =	vsel vm1, s24, v7  }
0x24b: {  	v8 =	vsel vm0, s10, v8;
	v9 =	vsel vm1, s20, v9;
	s22 =	sshra.s32 s1, $0x1F;
	s0 =	sshrl.u32 s0, $0x1F;
	s16 =	sshra.s32 s1, $0x12;
	v7 =	vsel vm12, s14, v7  }
0x24c: {  	v8 =	vsel vm1, s17, v8;
	v10 =	vmov s4;
	s19 =	sadd.s32 s21, s18;
	s21 =	sadd.s32 s7, s26;
	s26 =	sshra.s32 s2, $0x12;
	v7 =	vsel vm2, s16, v7  }
0x24d: {  	v10 =	vnsel vm3, $0x0, v10;
	s7 =	sshrl.u32 s2, $0x1F;
	s23 =	sshrl.u32 s8, $0x1F;
	v5 =	vsel vm2, s26, v5;
	s24 =	sshra.s32 s21, $0x12;
	v7 =	vsel vm13, s22, v7  }
0x24e: {  	s3 =	sadd.s32 s3, s11;
	s30 =	sshra.s32 s21, $0x1F;
	s31 =	sshrl.u32 s19, $0x1F;
	v6 =	vsel vm2, s7, v6;
	v10 =	vsel vm0, s23, v10;
	v7 =	vsel vm4, s24, v7  }
0x24f: {  	s1 =	sshrl.u32 s1, $0x1F;
	s6 =	sshra.s32 s3, $0x12;
	s10 =	sshra.s32 s19, $0x12;
	v9 =	vsel vm2, s31, v9;
	v10 =	vsel vm1, s0, v10;
	v7 =	vsel vm14, s30, v7  }
0x250: {  	s9 =	sshra.s32 s3, $0x1F;
	s8 =	sshrl.u32 s21, $0x1F;
	v8 =	vsel vm2, s10, v8;
	v10 =	vsel vm2, s1, v10;
	v7 =	vsel vm5, s6, v7  }
0x251: {  	s11 =	sshrl.u32 s3, $0x1F;
	v5 =	vcombine.low v5, v8;
	v10 =	vsel vm4, s8, v10;
	v7 =	vsel vm15, s9, v7  }
0x252: {  	s12 =	sshrl.u32 s28, $0x1F;
	s13 =	sshra.s32 s28, $0x1F;
	v6 =	vcombine.low v6, v9;
	v10 =	vsel vm5, s11, v10;
	v7 =	vsel vm6, s25, v7  }
0x253: {  	s14 =	sshrl.u32 s15, $0x1F;
	s15 =	sshra.s32 s15, $0x12;
	v5 =	vperm.xlane v5, v0;
	v63 =	vsel vm6, s12, v10;
	v7 =	vsel vm9, s13, v7  }
0x254: {  	v6 =	vperm.xlane v6, v0;
	v8 =	vsel vm7, s14, v63;
	v7 =	vsel vm7, s15, v7  }
0x255: {  	v8 =	vperm.xlane v8, v2;
	v7 =	vperm.xlane v7, v2;
	_ =	sdelay $0x1  }
0x256: {  	v6 =	vsel vm8, v8, v6;
	v5 =	vsel vm8, v7, v5  }
0x257: {  	v5 =	vadd.s32 v6, v5  }
0x258: {  	v5 =	vmul.u32 $0xF423F, v5;
	_ =	sdelay $0x1  }
0x259: {  	v4 =	vsub.s32 v4, v5  }
0x25a: {  	vm9 =	vlt.s32 v4, $0x0;
	v5 =	vadd.s32 $0xF423F, v4  }
0x25b: {  	s20 =	simm.s32 $0x1;
	s17 =	simm.s32 $0x80;
	v4 =	vsel vm9, v5, v4  }
0x25c: {  	s18 =	simm.s32 $0x400;
	s19 =	simm.s32 $0xC480;
	s16 =	rddreg [dreg:$0x1];
	[tilespmem:s29+$0x400] =	vst v4  }
0x25d: {  	[tilespmem:s19], [sflag:$0x1] =	stream.indirect.gather [hbm4b:s16+s17], $0x80, s18, s17, $0xb8;
	[tilespmem:$0x10480] =	vst v63  }
0x25e: {  	_ =	swait.ge [sflag:s20], $0x4000  }
0x25f: {  	s3 =	simm.s32 $0x0;
	[sflag:s20] =	ssyncset.done $0x0  }
0x260: {  	s23 =	simm.s32 $0x480;
	s21 =	rddreg [dreg:$0x6];
	[sflag:s20] =	ssyncadd.s32 $0xFFFFC000  }
0x261: {  	[hbm4b:s21+s3] =	stream.linear.scatter [tilespmem:s23], [sflag:$0x2], $0x4000, $0x38;
	[tilespmem:$0x10480] =	vst v63  }
0x262: {  	_ =	swait.ge [sflag:s20], $0x4000  }
0x263: {  	[sflag:s20] =	ssyncset.done $0x0  }
0x264: {  	s24 =	simm.s32 $0x4480;
	s22 =	rddreg [dreg:$0x8];
	[sflag:s20] =	ssyncadd.s32 $0xFFFFC000  }
0x265: {  	[hbm4b:s22+s3] =	stream.linear.scatter [tilespmem:s24], [sflag:$0x2], $0x4000, $0x38;
	[tilespmem:$0x10480] =	vst v63  }
0x266: {  	_ =	swait.ge [sflag:s20], $0x4000  }
0x267: {  	[sflag:s20] =	ssyncset.done $0x0  }
0x268: {  	s26 =	simm.s32 $0x8480;
	s25 =	rddreg [dreg:$0x9];
	[sflag:s20] =	ssyncadd.s32 $0xFFFFC000  }
0x269: {  	[hbm4b:s25+s3] =	stream.linear.scatter [tilespmem:s26], [sflag:$0x2], $0x4000, $0x38;
	[tilespmem:$0x10480] =	vst v63  }
0x26a: {  	_ =	swait.ge [sflag:s20], $0x4000  }
0x26b: {  	[sflag:s20] =	ssyncset.done $0x0  }
0x26c: {  	s29 =	simm.s32 $0x2;
	s28 =	rddreg [dreg:$0xa];
	[sflag:s20] =	ssyncadd.s32 $0xFFFFC000  }
0x26d: {  	[hbm4b:s28+s3] =	stream.linear.scatter [tilespmem:s19], [sflag:$0x2], $0x4000, $0x38;
	[tilespmem:$0x10480] =	vst v63  }
0x26e: {  	_ =	swait.ge [sflag:s29], $0x4000  }
0x26f: {  	[sflag:s29] =	ssyncset.done $0x0  }
0x270: {  	[sflag:s29] =	ssyncadd.s32 $0xFFFFC000  }
0x271: {  	_ =	swait.ge [sflag:s29], $0x4000  }
0x272: {  	[sflag:s29] =	ssyncset.done $0x0  }
0x273: {  	[sflag:s29] =	ssyncadd.s32 $0xFFFFC000  }
0x274: {  	_ =	swait.ge [sflag:s29], $0x4000  }
0x275: {  	[sflag:s29] =	ssyncset.done $0x0  }
0x276: {  	[sflag:s29] =	ssyncadd.s32 $0xFFFFC000  }
0x277: {  	_ =	swait.ge [sflag:s29], $0x4000  }
0x278: {  	s30 =	rddreg [dreg:$0xc]  }
0x279: {  	s31 =	rddreg [dreg:$0xb];
	s2 =	sadd.s32 $0x1, s30  }
0x27a: {  	p0 =	sne.s32 s2, s31  }
.Ltmp4:
0x27b: {  	_ = 	snop;
	(pc) =	sbr.rel @p0 .LBB2_1-.Ltmp4, $3  }
0x27c: {  	_ =	sdelay $0x1  }
0x27d: {  	[sflag:s29] =	ssyncset.done $0x0  }
0x27e: {  	[sflag:s29] =	ssyncadd.s32 $0xFFFFC000  }
0x27f: {  	_ =	sfence.sel $0x180000  }
0x280: {  	[bflag:$0x0] =	sbarrier.arrive $0xFFFF  }
0x281: {  	_ =	strace $0x90000047  }
0x282: {  	s0 =	stileid.u32;
	[bflag:$0x2] =	sbarrier.arrive $0xFFFF  }
0x283: {  	p0 =	sne.s32 s0, $0x0;
	s0 =	rddreg [dreg:$0x3]  }
0x284: {  	s0 =	sadd.s32 @!p0 $0x100000, s0  }
0x285: {  	[sflag:s0] =	ssyncadd.tile.s32 @!p0 $0x1;
	_ =	shalt  }
.Lfunc_end2:
_tile_overlayer_lowered:
.L_overlay_start_2:
0x286: {  	(tag) =	ssettag $0x2  }
0x287: {  	s0 =	rddreg [dreg:$0x0];
	s2 =	stileid.u32  }
0x288: {  	s1 =	rddreg [dreg:$0x1];
	p0 =	sne.s32 s2, $0x0  }
0x289: {  	s3 =	rddreg [dreg:$0x2];
	[bflag:$0x3] =	sbarrier.arrive $0xFFFF;
	s2 =	simm.s32 @!p0 $0x1C03  }
0x28a: {  	[timem:s3], [sflag:s2] =	dma.local @!p0 [hbm:s0], s1  }
0x28b: {  	s0 =	simm.s32 @!p0 $0x3  }
0x28c: {  	_ =	swait.ge @!p0 [sflag:s0], s1  }
0x28d: {  	s1 =	ssub.s32 @!p0 $0x0, s1;
	[sflag:s0] =	ssyncset.done @!p0 $0x0  }
0x28e: {  	[sflag:s0] =	ssyncadd.s32 @!p0 s1  }
0x28f: {  	[bflag:$0x3] =	sbarrier.arrive $0xFFFF  }
0x290: {  	_ =	shalt  }

</sc_bundles>
